<compile_context>
chip_gen: v7x
topology: tpu7x:2x2x1
jax: 0.10.2.dev20260603
libtpu: 0.0.44.dev20260713+nightly
codegen_flags: <defaults>
</compile_context>

<pallas_src>
import functools

import jax
import jax.numpy as jnp
from jax.experimental import pallas as pl

EPS = 1e-5


def _fps_body(x, iota, iota_np, n, i, state):
    cent, dist, far = state
    cent = jnp.where(iota_np == i, far, cent)
    mask = iota == far
    c = jnp.sum(jnp.where(mask, x, 0.0), axis=2, keepdims=True)
    d = jnp.sum((x - c) ** 2, axis=1, keepdims=True)
    dist = jnp.minimum(dist, d)
    mx = jnp.max(dist, axis=2, keepdims=True)
    far = jnp.min(jnp.where(dist == mx, iota, n), axis=2, keepdims=True)
    return cent, dist, far


def _fps_kernel(xyz_ref, out_ref, *, npoint):
    x = xyz_ref[...]
    b, _, n = x.shape
    iota = jax.lax.broadcasted_iota(jnp.int32, (1, 1, n), 2)
    iota_np = jax.lax.broadcasted_iota(jnp.int32, (1, 1, npoint), 2)
    init = (
        jnp.zeros((b, 1, npoint), jnp.int32),
        jnp.full((b, 1, n), 1e10, jnp.float32),
        jnp.zeros((b, 1, 1), jnp.int32),
    )
    cent, _, _ = jax.lax.fori_loop(
        0, npoint, functools.partial(_fps_body, x, iota, iota_np, n), init
    )
    out_ref[...] = cent.reshape(b, npoint)


def _fps(xyz, npoint):
    b, n, _ = xyz.shape
    xt = jnp.transpose(xyz, (0, 2, 1))
    return pl.pallas_call(
        functools.partial(_fps_kernel, npoint=npoint),
        in_specs=[pl.BlockSpec((b, 3, n), lambda: (0, 0, 0))],
        out_specs=pl.BlockSpec((b, npoint), lambda: (0, 0)),
        out_shape=jax.ShapeDtypeStruct((b, npoint), jnp.int32),
    )(xt)


def _write_stats(y, s1_ref, s2_ref):
    s1_ref[...] = jnp.broadcast_to(
        jnp.sum(y, axis=0, keepdims=True), s1_ref.shape
    )
    s2_ref[...] = jnp.broadcast_to(
        jnp.sum(y * y, axis=0, keepdims=True), s2_ref.shape
    )


def _mm_kernel(x_ref, w_ref, b_ref, o_ref, s1_ref, s2_ref):
    y = (
        jnp.dot(x_ref[...], w_ref[...].T, preferred_element_type=jnp.float32)
        + b_ref[...]
    )
    o_ref[...] = y
    _write_stats(y, s1_ref, s2_ref)


def _mm_act_kernel(x_ref, w_ref, b_ref, s_ref, t_ref, o_ref, s1_ref, s2_ref):
    x = jnp.maximum(x_ref[...] * s_ref[...] + t_ref[...], 0.0)
    y = jnp.dot(x, w_ref[...].T, preferred_element_type=jnp.float32) + b_ref[...]
    o_ref[...] = y
    _write_stats(y, s1_ref, s2_ref)


def _matmul(x, w, bvec, scale=None, shift=None):
    m, c = x.shape
    o = w.shape[0]
    tm = min(m, 4096)
    grid = (m // tm,)
    b2 = bvec.reshape(1, o)
    g = grid[0]
    x_spec = pl.BlockSpec((tm, c), lambda i: (i, 0))
    w_spec = pl.BlockSpec((o, c), lambda i: (0, 0))
    b_spec = pl.BlockSpec((1, o), lambda i: (0, 0))
    v_spec = pl.BlockSpec((1, c), lambda i: (0, 0))
    stat_spec = pl.BlockSpec((8, o), lambda i: (i, 0))
    out_specs = [
        pl.BlockSpec((tm, o), lambda i: (i, 0)),
        stat_spec,
        stat_spec,
    ]
    out_shape = [
        jax.ShapeDtypeStruct((m, o), jnp.float32),
        jax.ShapeDtypeStruct((g * 8, o), jnp.float32),
        jax.ShapeDtypeStruct((g * 8, o), jnp.float32),
    ]
    if scale is None:
        y, s1, s2 = pl.pallas_call(
            _mm_kernel,
            grid=grid,
            in_specs=[x_spec, w_spec, b_spec],
            out_specs=out_specs,
            out_shape=out_shape,
        )(x, w, b2)
    else:
        y, s1, s2 = pl.pallas_call(
            _mm_act_kernel,
            grid=grid,
            in_specs=[x_spec, w_spec, b_spec, v_spec, v_spec],
            out_specs=out_specs,
            out_shape=out_shape,
        )(x, w, b2, scale.reshape(1, c), shift.reshape(1, c))
    mean = jnp.sum(s1[::8], axis=0) / m
    var = jnp.sum(s2[::8], axis=0) / m - mean * mean
    return y, mean, var


def _arm_kernel(y_ref, s_ref, t_ref, o_ref):
    o_ref[...] = jnp.max(
        jnp.maximum(y_ref[...] * s_ref[...] + t_ref[...], 0.0), axis=1
    )


def _affine_relu_max(y, scale, shift):
    m2, k, o = y.shape
    ts = 8
    while ts * 2 <= m2 and m2 % (ts * 2) == 0 and ts * 2 * k * o * 4 <= 4 * 2**20:
        ts *= 2
    return pl.pallas_call(
        _arm_kernel,
        grid=(m2 // ts,),
        in_specs=[
            pl.BlockSpec((ts, k, o), lambda i: (i, 0, 0)),
            pl.BlockSpec((1, 1, o), lambda i: (0, 0, 0)),
            pl.BlockSpec((1, 1, o), lambda i: (0, 0, 0)),
        ],
        out_specs=pl.BlockSpec((ts, o), lambda i: (i, 0)),
        out_shape=jax.ShapeDtypeStruct((m2, o), jnp.float32),
    )(y, scale.reshape(1, 1, o), shift.reshape(1, 1, o))


def _bn_affine(mean, var, layer):
    scale = layer["gamma"] / jnp.sqrt(var + EPS)
    shift = layer["beta"] - mean * scale
    return scale, shift


def _mlp_max(grouped, layers):
    b, s, k, c = grouped.shape
    x = grouped.reshape(b * s * k, c)
    scale = shift = None
    for layer in layers:
        x, mean, var = _matmul(x, layer["W"], layer["b"], scale, shift)
        scale, shift = _bn_affine(mean, var, layer)
    o = x.shape[-1]
    out = _affine_relu_max(x.reshape(b * s, k, o), scale, shift)
    return out.reshape(b, s, o)


def _gather(points, idx):
    b = points.shape[0]
    batch_idx = jnp.arange(b).reshape((b,) + (1,) * (idx.ndim - 1))
    return points[batch_idx, idx]


def _ball_query(radius, nsample, xyz, new_xyz):
    b, n, _ = xyz.shape
    s = new_xyz.shape[1]
    sqrdists = (
        jnp.sum(new_xyz**2, axis=-1)[:, :, None]
        + jnp.sum(xyz**2, axis=-1)[:, None, :]
        - 2.0 * jnp.matmul(new_xyz, jnp.transpose(xyz, (0, 2, 1)))
    )
    group_idx = jnp.broadcast_to(jnp.arange(n, dtype=jnp.int32), (b, s, n))
    group_idx = jnp.where(sqrdists > radius**2, n, group_idx)
    group_idx = jnp.sort(group_idx, axis=-1)[:, :, :nsample]
    group_first = jnp.broadcast_to(group_idx[:, :, :1], group_idx.shape)
    return jnp.where(group_idx == n, group_first, group_idx)


def _sa_msg(xyz, points, npoint, radius_list, nsample_list, branches):
    fps_idx = _fps(xyz, npoint)
    new_xyz = _gather(xyz, fps_idx)
    outs = []
    for radius, nsample, layers in zip(radius_list, nsample_list, branches):
        group_idx = _ball_query(radius, nsample, xyz, new_xyz)
        grouped_xyz = _gather(xyz, group_idx) - new_xyz[:, :, None, :]
        if points is not None:
            grouped = jnp.concatenate(
                [_gather(points, group_idx), grouped_xyz], axis=-1
            )
        else:
            grouped = grouped_xyz
        outs.append(_mlp_max(grouped, layers))
    return new_xyz, jnp.concatenate(outs, axis=-1)


def kernel(xyz, params):
    pts = jnp.transpose(xyz, (0, 2, 1))
    l1_xyz, l1_points = _sa_msg(
        pts, None, 512, [0.1, 0.2, 0.4], [16, 32, 128], params["sa1"]
    )
    l2_xyz, l2_points = _sa_msg(
        l1_xyz, l1_points, 128, [0.2, 0.4, 0.8], [32, 64, 128], params["sa2"]
    )
    grouped = jnp.concatenate([l2_xyz, l2_points], axis=-1)[:, None, :, :]
    l3 = _mlp_max(grouped, params["sa3"])
    return l3.reshape(l3.shape[0], 1024)

# --- scband reference (transcript-rebuilt; emitter-appended) ---
"""Pipeline reference for scband-point-net-v2-12790412607708 (READ-ONLY COPY).

The authoritative reference and input builder live on the scoring server;
editing this copy changes nothing except your own understanding.
"""

import jax, jax.numpy as jnp
import numpy as np

EPS = 1e-5

def square_distance(src, dst):
    return (jnp.sum(src ** 2, axis=-1)[:, :, None]
            + jnp.sum(dst ** 2, axis=-1)[:, None, :]
            - 2.0 * jnp.matmul(src, jnp.transpose(dst, (0, 2, 1))))

def index_points(points, idx):
    B = points.shape[0]
    batch_idx = jnp.arange(B).reshape((B,) + (1,) * (idx.ndim - 1))
    return points[batch_idx, idx]

def farthest_point_sample(xyz, npoint):
    xyz = jax.lax.stop_gradient(xyz)
    B, N, _ = xyz.shape
    def body(i, state):
        centroids, distance, farthest = state
        centroids = centroids.at[:, i].set(farthest)
        centroid = index_points(xyz, farthest[:, None])
        dist = jnp.sum((xyz - centroid) ** 2, axis=-1)
        distance = jnp.minimum(distance, dist)
        farthest = jnp.argmax(distance, axis=-1).astype(jnp.int32)
        return (centroids, distance, farthest)
    init = (jnp.zeros((B, npoint), jnp.int32), jnp.full((B, N), 1e10, xyz.dtype), jnp.zeros((B,), jnp.int32))
    centroids, _, _ = jax.lax.fori_loop(0, npoint, body, init)
    return centroids

def query_ball_point(radius, nsample, xyz, new_xyz):
    xyz = jax.lax.stop_gradient(xyz)
    new_xyz = jax.lax.stop_gradient(new_xyz)
    B, N, _ = xyz.shape
    S = new_xyz.shape[1]
    sqrdists = square_distance(new_xyz, xyz)
    group_idx = jnp.broadcast_to(jnp.arange(N, dtype=jnp.int32), (B, S, N))
    group_idx = jnp.where(sqrdists > radius ** 2, N, group_idx)
    group_idx = jnp.sort(group_idx, axis=-1)[:, :, :nsample]
    group_first = jnp.broadcast_to(group_idx[:, :, :1], group_idx.shape)
    group_idx = jnp.where(group_idx == N, group_first, group_idx)
    return group_idx

def apply_mlp(x, layers):
    for layer in layers:
        x = jnp.einsum('bskc,oc->bsko', x, layer['W']) + layer['b']
        mean = jnp.mean(x, axis=(0, 1, 2), keepdims=True)
        var = jnp.var(x, axis=(0, 1, 2), keepdims=True)
        x = layer['gamma'] * (x - mean) / jnp.sqrt(var + EPS) + layer['beta']
        x = jax.nn.relu(x)
    return x

def sa_msg(xyz, points, npoint, radius_list, nsample_list, branches):
    fps_idx = farthest_point_sample(xyz, npoint)
    new_xyz = index_points(xyz, fps_idx)
    outs = []
    for radius, nsample, layers in zip(radius_list, nsample_list, branches):
        group_idx = query_ball_point(radius, nsample, xyz, new_xyz)
        grouped_xyz = index_points(xyz, group_idx) - new_xyz[:, :, None, :]
        if points is not None:
            grouped = jnp.concatenate([index_points(points, group_idx), grouped_xyz], axis=-1)
        else:
            grouped = grouped_xyz
        x = apply_mlp(grouped, layers)
        outs.append(jnp.max(x, axis=2))
    return new_xyz, jnp.concatenate(outs, axis=-1)

def sa_group_all(xyz, points, layers):
    grouped = jnp.concatenate([xyz, points], axis=-1)[:, None, :, :]
    x = apply_mlp(grouped, layers)
    return jnp.max(x, axis=2)

def _forward(xyz, params):
    pts = jnp.transpose(xyz, (0, 2, 1))
    l1_xyz, l1_points = sa_msg(pts, None, 512, [0.1, 0.2, 0.4], [16, 32, 128], params['sa1'])
    l2_xyz, l2_points = sa_msg(l1_xyz, l1_points, 128, [0.2, 0.4, 0.8], [32, 64, 128], params['sa2'])
    l3_points = sa_group_all(l2_xyz, l2_points, params['sa3'])
    return l3_points.reshape(l3_points.shape[0], 1024)

def _make_mlp(key, in_ch, channels):
    layers = []
    for out_ch in channels:
        key, k1 = jax.random.split(key)
        layers.append({'W': jax.random.normal(k1, (out_ch, in_ch), dtype=jnp.float32) * 0.05,
                       'b': jnp.zeros((out_ch,), jnp.float32),
                       'gamma': jnp.ones((out_ch,), jnp.float32),
                       'beta': jnp.zeros((out_ch,), jnp.float32)})
        in_ch = out_ch
    return layers, key

def setup_inputs(seed: int = 0):
    key = jax.random.key(seed)
    B, N = 8, 2048
    key, kx = jax.random.split(key)
    xyz = jax.random.uniform(kx, (B, 3, N), dtype=jnp.float32)
    params = {'sa1': [], 'sa2': []}
    for mlp in [[32, 32, 64], [64, 64, 128], [64, 96, 128]]:
        layers, key = _make_mlp(key, 3, mlp)
        params['sa1'].append(layers)
    for mlp in [[64, 64, 128], [128, 128, 256], [128, 128, 256]]:
        layers, key = _make_mlp(key, 323, mlp)
        params['sa2'].append(layers)
    params['sa3'], key = _make_mlp(key, 643, [256, 512, 1024])
    return {'xyz': xyz, 'params': params}

def reference(xyz, params):
    return _forward(xyz, params)

if __name__ == "__main__":
    import jax
    _d = setup_inputs()
    print(jax.jit(kernel)(*tuple(_d.values())))

</pallas_src>

<mosaic_0001>
module attributes {stable_mosaic.version = 14 : i64} {
  func.func @_fps_kernel(%arg0: memref<8x3x2048xf32, #tpu.memory_space<vmem>>, %arg1: memref<8x512xi32, #tpu.memory_space<vmem>>) attributes {dimension_semantics = [], scalar_prefetch = 0 : i64, scratch_operands = 0 : i64, tpu.core_type = #tpu.core_type<tc>} {
    %get3A = arith.constant 0 : index
    %get3A_0 = arith.constant 0 : index
    %get3A_1 = arith.constant 0 : index
    %get3A_2 = vector.load %arg0[%get3A, %get3A_0, %get3A_1] : memref<8x3x2048xf32, #tpu.memory_space<vmem>>, vector<8x3x2048xf32>
    %iota3A = tpu.iota {dimensions = array<i32: 2>} : vector<1x1x2048xi32>
    %iota3A_3 = tpu.iota {dimensions = array<i32: 2>} : vector<1x1x512xi32>
    %broadcast_in_dim3A = arith.constant 0 : i32
    %broadcast_in_dim3A_4 = vector.broadcast %broadcast_in_dim3A : i32 to vector<8x1x512xi32>
    %broadcast_in_dim3A_5 = arith.constant 1.000000e+10 : f32
    %broadcast_in_dim3A_6 = vector.broadcast %broadcast_in_dim3A_5 : f32 to vector<8x1x2048xf32>
    %broadcast_in_dim3A_7 = arith.constant 0 : i32
    %broadcast_in_dim3A_8 = vector.broadcast %broadcast_in_dim3A_7 : i32 to vector<8x1x1xi32>
    %scan3A = arith.constant 0 : i32
    %scan3A_9 = arith.constant 512 : i32
    %scan3A_10 = arith.addi %scan3A, %scan3A_9 : i32
    %scan3A_11 = arith.constant 1 : i32
    %scan3A_12:3 = scf.for %scan3A_16 = %scan3A to %scan3A_10 step %scan3A_11 iter_args(%scan3A_17 = %broadcast_in_dim3A_4, %scan3A_18 = %broadcast_in_dim3A_6, %scan3A_19 = %broadcast_in_dim3A_8) -> (vector<8x1x512xi32>, vector<8x1x2048xf32>, vector<8x1x1xi32>)  : i32 {
      %eq3A = vector.broadcast %scan3A_16 : i32 to vector<1x1x512xi32>
      %eq3A_20 = arith.cmpi eq, %iota3A_3, %eq3A : vector<1x1x512xi32>
      %broadcast_in_dim3A_21 = vector.shape_cast %eq3A_20 : vector<1x1x512xi1> to vector<1x1x512xi1>
      %broadcast_in_dim3A_22 = vector.broadcast %broadcast_in_dim3A_21 : vector<1x1x512xi1> to vector<8x1x512xi1>
      %broadcast_in_dim3A_23 = vector.shape_cast %scan3A_19 : vector<8x1x1xi32> to vector<8x1x1xi32>
      %broadcast_in_dim3A_24 = vector.broadcast %broadcast_in_dim3A_23 : vector<8x1x1xi32> to vector<8x1x512xi32>
      %select_n3A = arith.select %broadcast_in_dim3A_22, %broadcast_in_dim3A_24, %scan3A_17 : vector<8x1x512xi1>, vector<8x1x512xi32>
      %eq3A_25 = vector.broadcast %iota3A : vector<1x1x2048xi32> to vector<8x1x2048xi32>
      %eq3A_26 = vector.broadcast %scan3A_19 : vector<8x1x1xi32> to vector<8x1x2048xi32>
      %eq3A_27 = arith.cmpi eq, %eq3A_25, %eq3A_26 : vector<8x1x2048xi32>
      %jit3A = arith.constant 0.000000e+00 : f32
      %broadcast_in_dim3A_28 = vector.shape_cast %eq3A_27 : vector<8x1x2048xi1> to vector<8x1x2048xi1>
      %broadcast_in_dim3A_29 = vector.broadcast %broadcast_in_dim3A_28 : vector<8x1x2048xi1> to vector<8x3x2048xi1>
      %broadcast_in_dim3A_30 = vector.broadcast %jit3A : f32 to vector<8x3x2048xf32>
      %select_n3A_31 = arith.select %broadcast_in_dim3A_29, %get3A_2, %broadcast_in_dim3A_30 : vector<8x3x2048xi1>, vector<8x3x2048xf32>
      %reduce_sum3A = arith.constant dense<0.000000e+00> : vector<8x3xf32>
      %reduce_sum3A_32 = vector.multi_reduction <add>, %select_n3A_31, %reduce_sum3A [2] : vector<8x3x2048xf32> to vector<8x3xf32>
      %broadcast_in_dim3A_33 = vector.shape_cast %reduce_sum3A_32 : vector<8x3xf32> to vector<8x3x1xf32>
      %sub3A = vector.broadcast %broadcast_in_dim3A_33 : vector<8x3x1xf32> to vector<8x3x2048xf32>
      %sub3A_34 = arith.subf %get3A_2, %sub3A : vector<8x3x2048xf32>
      %integer_pow3A = arith.mulf %sub3A_34, %sub3A_34 : vector<8x3x2048xf32>
      %reduce_sum3A_35 = arith.constant dense<0.000000e+00> : vector<8x2048xf32>
      %reduce_sum3A_36 = vector.multi_reduction <add>, %integer_pow3A, %reduce_sum3A_35 [1] : vector<8x3x2048xf32> to vector<8x2048xf32>
      %broadcast_in_dim3A_37 = vector.shape_cast %reduce_sum3A_36 : vector<8x2048xf32> to vector<8x1x2048xf32>
      %min3A = arith.minimumf %scan3A_18, %broadcast_in_dim3A_37 : vector<8x1x2048xf32>
      %reduce_max3A = arith.constant dense<0xFF800000> : vector<8x1xf32>
      %reduce_max3A_38 = vector.multi_reduction <maximumf>, %min3A, %reduce_max3A [2] : vector<8x1x2048xf32> to vector<8x1xf32>
      %broadcast_in_dim3A_39 = vector.shape_cast %reduce_max3A_38 : vector<8x1xf32> to vector<8x1x1xf32>
      %eq3A_40 = vector.broadcast %broadcast_in_dim3A_39 : vector<8x1x1xf32> to vector<8x1x2048xf32>
      %eq3A_41 = arith.cmpf oeq, %min3A, %eq3A_40 : vector<8x1x2048xf32>
      %jit3A_42 = arith.constant 2048 : i32
      %broadcast_in_dim3A_43 = vector.shape_cast %iota3A : vector<1x1x2048xi32> to vector<1x1x2048xi32>
      %broadcast_in_dim3A_44 = vector.broadcast %broadcast_in_dim3A_43 : vector<1x1x2048xi32> to vector<8x1x2048xi32>
      %broadcast_in_dim3A_45 = vector.broadcast %jit3A_42 : i32 to vector<8x1x2048xi32>
      %select_n3A_46 = arith.select %eq3A_41, %broadcast_in_dim3A_44, %broadcast_in_dim3A_45 : vector<8x1x2048xi1>, vector<8x1x2048xi32>
      %reduce_min3A = arith.constant dense<2147483647> : vector<8x1xi32>
      %reduce_min3A_47 = vector.multi_reduction <minsi>, %select_n3A_46, %reduce_min3A [2] : vector<8x1x2048xi32> to vector<8x1xi32>
      %broadcast_in_dim3A_48 = vector.shape_cast %reduce_min3A_47 : vector<8x1xi32> to vector<8x1x1xi32>
      scf.yield %select_n3A, %min3A, %broadcast_in_dim3A_48 : vector<8x1x512xi32>, vector<8x1x2048xf32>, vector<8x1x1xi32>
    }
    %scan3A_13 = arith.constant 512 : i32
    %reshape3A = vector.shape_cast %scan3A_12#0 : vector<8x1x512xi32> to vector<8x512xi32>
    %swap3A = arith.constant 0 : index
    %swap3A_14 = arith.constant 0 : index
    %swap3A_15 = vector.load %arg1[%swap3A, %swap3A_14] : memref<8x512xi32, #tpu.memory_space<vmem>>, vector<8x512xi32>
    tpu.vector_store %arg1[%swap3A, %swap3A_14], %reshape3A {strides = array<i32>} : memref<8x512xi32, #tpu.memory_space<vmem>>, vector<8x512xi32>,
    return
  }
}

module attributes {stable_mosaic.version = 14 : i64} {
  func.func @_mm_kernel(%arg0: i32, %arg1: memref<4096x3xf32, #tpu.memory_space<vmem>>, %arg2: memref<32x3xf32, #tpu.memory_space<vmem>>, %arg3: memref<1x32xf32, #tpu.memory_space<vmem>>, %arg4: memref<4096x32xf32, #tpu.memory_space<vmem>>, %arg5: memref<8x32xf32, #tpu.memory_space<vmem>>, %arg6: memref<8x32xf32, #tpu.memory_space<vmem>>) attributes {dimension_semantics = [#tpu.dimension_semantics<arbitrary>], iteration_bounds = array<i64: 16>, scalar_prefetch = 0 : i64, scratch_operands = 0 : i64, tpu.core_type = #tpu.core_type<tc>, window_params = [{transform_indices = @transform_0, window_bounds = array<i64: 4096, 3>}, {pipeline_mode = #tpu.pipeline_mode<synchronous>, transform_indices = @transform_1, window_bounds = array<i64: 32, 3>}, {pipeline_mode = #tpu.pipeline_mode<synchronous>, transform_indices = @transform_2, window_bounds = array<i64: 1, 32>}, {transform_indices = @transform_3, window_bounds = array<i64: 4096, 32>}, {transform_indices = @transform_4, window_bounds = array<i64: 8, 32>}, {transform_indices = @transform_5, window_bounds = array<i64: 8, 32>}]} {
    %get3A = arith.constant 0 : index
    %get3A_0 = arith.constant 0 : index
    %get3A_1 = vector.load %arg1[%get3A, %get3A_0] : memref<4096x3xf32, #tpu.memory_space<vmem>>, vector<4096x3xf32>
    %get3A_2 = arith.constant 0 : index
    %get3A_3 = arith.constant 0 : index
    %get3A_4 = vector.load %arg2[%get3A_2, %get3A_3] : memref<32x3xf32, #tpu.memory_space<vmem>>, vector<32x3xf32>
    %transpose3A = tpu.transpose %get3A_4, [1, 0] : vector<32x3xf32> -> vector<3x32xf32>
    %dot_general3A = arith.constant dense<0.000000e+00> : vector<4096x32xf32>
    %dot_general3A_5 = tpu.matmul %get3A_1, %transpose3A, %dot_general3A {dimension_numbers = #tpu.dot_dimension_numbers<[1], [0], [0], [1], [0, 0, 1, 1], [], []>, transpose_lhs_hint = false} : vector<4096x3xf32>, vector<3x32xf32>, vector<4096x32xf32> -> vector<4096x32xf32>
    %get3A_6 = arith.constant 0 : index
    %get3A_7 = arith.constant 0 : index
    %get3A_8 = vector.load %arg3[%get3A_6, %get3A_7] : memref<1x32xf32, #tpu.memory_space<vmem>>, vector<1x32xf32>
    %add3A = vector.broadcast %get3A_8 : vector<1x32xf32> to vector<4096x32xf32>
    %add3A_9 = arith.addf %dot_general3A_5, %add3A : vector<4096x32xf32>
    %swap3A = arith.constant 0 : index
    %swap3A_10 = arith.constant 0 : index
    %swap3A_11 = vector.load %arg4[%swap3A, %swap3A_10] : memref<4096x32xf32, #tpu.memory_space<vmem>>, vector<4096x32xf32>
    tpu.vector_store %arg4[%swap3A, %swap3A_10], %add3A_9 {strides = array<i32>} : memref<4096x32xf32, #tpu.memory_space<vmem>>, vector<4096x32xf32>,
    %reduce_sum3A = arith.constant dense<0.000000e+00> : vector<32xf32>
    %reduce_sum3A_12 = vector.multi_reduction <add>, %add3A_9, %reduce_sum3A [0] : vector<4096x32xf32> to vector<32xf32>
    %broadcast_in_dim3A = vector.shape_cast %reduce_sum3A_12 : vector<32xf32> to vector<1x32xf32>
    %broadcast_in_dim3A_13 = vector.shape_cast %broadcast_in_dim3A : vector<1x32xf32> to vector<1x32xf32>
    %broadcast_in_dim3A_14 = vector.broadcast %broadcast_in_dim3A_13 : vector<1x32xf32> to vector<8x32xf32>
    %swap3A_15 = arith.constant 0 : index
    %swap3A_16 = arith.constant 0 : index
    %swap3A_17 = vector.load %arg5[%swap3A_15, %swap3A_16] : memref<8x32xf32, #tpu.memory_space<vmem>>, vector<8x32xf32>
    tpu.vector_store %arg5[%swap3A_15, %swap3A_16], %broadcast_in_dim3A_14 {strides = array<i32>} : memref<8x32xf32, #tpu.memory_space<vmem>>, vector<8x32xf32>,
    %mul3A = arith.mulf %add3A_9, %add3A_9 : vector<4096x32xf32>
    %reduce_sum3A_18 = arith.constant dense<0.000000e+00> : vector<32xf32>
    %reduce_sum3A_19 = vector.multi_reduction <add>, %mul3A, %reduce_sum3A_18 [0] : vector<4096x32xf32> to vector<32xf32>
    %broadcast_in_dim3A_20 = vector.shape_cast %reduce_sum3A_19 : vector<32xf32> to vector<1x32xf32>
    %broadcast_in_dim3A_21 = vector.shape_cast %broadcast_in_dim3A_20 : vector<1x32xf32> to vector<1x32xf32>
    %broadcast_in_dim3A_22 = vector.broadcast %broadcast_in_dim3A_21 : vector<1x32xf32> to vector<8x32xf32>
    %swap3A_23 = arith.constant 0 : index
    %swap3A_24 = arith.constant 0 : index
    %swap3A_25 = vector.load %arg6[%swap3A_23, %swap3A_24] : memref<8x32xf32, #tpu.memory_space<vmem>>, vector<8x32xf32>
    tpu.vector_store %arg6[%swap3A_23, %swap3A_24], %broadcast_in_dim3A_22 {strides = array<i32>} : memref<8x32xf32, #tpu.memory_space<vmem>>, vector<8x32xf32>,
    return
  }
  func.func @transform_0(%arg0: i32) -> (i32, i32) {
    %c0_i32 = arith.constant 0 : i32
    %c0_i32_0 = arith.constant 0 : i32
    return %arg0, %c0_i32 : i32, i32
  }
  func.func @transform_1(%arg0: i32) -> (i32, i32) {
    %c0_i32 = arith.constant 0 : i32
    %c0_i32_0 = arith.constant 0 : i32
    %c0_i32_1 = arith.constant 0 : i32
    return %c0_i32, %c0_i32_0 : i32, i32
  }
  func.func @transform_2(%arg0: i32) -> (i32, i32) {
    %c0_i32 = arith.constant 0 : i32
    %c0_i32_0 = arith.constant 0 : i32
    %c0_i32_1 = arith.constant 0 : i32
    return %c0_i32, %c0_i32_0 : i32, i32
  }
  func.func @transform_3(%arg0: i32) -> (i32, i32) {
    %c0_i32 = arith.constant 0 : i32
    %c0_i32_0 = arith.constant 0 : i32
    return %arg0, %c0_i32 : i32, i32
  }
  func.func @transform_4(%arg0: i32) -> (i32, i32) {
    %c0_i32 = arith.constant 0 : i32
    %c0_i32_0 = arith.constant 0 : i32
    return %arg0, %c0_i32 : i32, i32
  }
  func.func @transform_5(%arg0: i32) -> (i32, i32) {
    %c0_i32 = arith.constant 0 : i32
    %c0_i32_0 = arith.constant 0 : i32
    return %arg0, %c0_i32 : i32, i32
  }
}

module attributes {stable_mosaic.version = 14 : i64} {
  func.func @_mm_act_kernel(%arg0: i32, %arg1: memref<4096x32xf32, #tpu.memory_space<vmem>>, %arg2: memref<32x32xf32, #tpu.memory_space<vmem>>, %arg3: memref<1x32xf32, #tpu.memory_space<vmem>>, %arg4: memref<1x32xf32, #tpu.memory_space<vmem>>, %arg5: memref<1x32xf32, #tpu.memory_space<vmem>>, %arg6: memref<4096x32xf32, #tpu.memory_space<vmem>>, %arg7: memref<8x32xf32, #tpu.memory_space<vmem>>, %arg8: memref<8x32xf32, #tpu.memory_space<vmem>>) attributes {dimension_semantics = [#tpu.dimension_semantics<arbitrary>], iteration_bounds = array<i64: 16>, scalar_prefetch = 0 : i64, scratch_operands = 0 : i64, tpu.core_type = #tpu.core_type<tc>, window_params = [{transform_indices = @transform_0, window_bounds = array<i64: 4096, 32>}, {pipeline_mode = #tpu.pipeline_mode<synchronous>, transform_indices = @transform_1, window_bounds = array<i64: 32, 32>}, {pipeline_mode = #tpu.pipeline_mode<synchronous>, transform_indices = @transform_2, window_bounds = array<i64: 1, 32>}, {pipeline_mode = #tpu.pipeline_mode<synchronous>, transform_indices = @transform_3, window_bounds = array<i64: 1, 32>}, {pipeline_mode = #tpu.pipeline_mode<synchronous>, transform_indices = @transform_4, window_bounds = array<i64: 1, 32>}, {transform_indices = @transform_5, window_bounds = array<i64: 4096, 32>}, {transform_indices = @transform_6, window_bounds = array<i64: 8, 32>}, {transform_indices = @transform_7, window_bounds = array<i64: 8, 32>}]} {
    %get3A = arith.constant 0 : index
    %get3A_0 = arith.constant 0 : index
    %get3A_1 = vector.load %arg1[%get3A, %get3A_0] : memref<4096x32xf32, #tpu.memory_space<vmem>>, vector<4096x32xf32>
    %get3A_2 = arith.constant 0 : index
    %get3A_3 = arith.constant 0 : index
    %get3A_4 = vector.load %arg4[%get3A_2, %get3A_3] : memref<1x32xf32, #tpu.memory_space<vmem>>, vector<1x32xf32>
    %mul3A = vector.broadcast %get3A_4 : vector<1x32xf32> to vector<4096x32xf32>
    %mul3A_5 = arith.mulf %get3A_1, %mul3A : vector<4096x32xf32>
    %get3A_6 = arith.constant 0 : index
    %get3A_7 = arith.constant 0 : index
    %get3A_8 = vector.load %arg5[%get3A_6, %get3A_7] : memref<1x32xf32, #tpu.memory_space<vmem>>, vector<1x32xf32>
    %add3A = vector.broadcast %get3A_8 : vector<1x32xf32> to vector<4096x32xf32>
    %add3A_9 = arith.addf %mul3A_5, %add3A : vector<4096x32xf32>
    %max3A = arith.constant 0.000000e+00 : f32
    %max3A_10 = vector.broadcast %max3A : f32 to vector<4096x32xf32>
    %max3A_11 = arith.maximumf %add3A_9, %max3A_10 : vector<4096x32xf32>
    %get3A_12 = arith.constant 0 : index
    %get3A_13 = arith.constant 0 : index
    %get3A_14 = vector.load %arg2[%get3A_12, %get3A_13] : memref<32x32xf32, #tpu.memory_space<vmem>>, vector<32x32xf32>
    %transpose3A = tpu.transpose %get3A_14, [1, 0] : vector<32x32xf32> -> vector<32x32xf32>
    %dot_general3A = arith.constant dense<0.000000e+00> : vector<4096x32xf32>
    %dot_general3A_15 = tpu.matmul %max3A_11, %transpose3A, %dot_general3A {dimension_numbers = #tpu.dot_dimension_numbers<[1], [0], [0], [1], [0, 0, 1, 1], [], []>, transpose_lhs_hint = false} : vector<4096x32xf32>, vector<32x32xf32>, vector<4096x32xf32> -> vector<4096x32xf32>
    %get3A_16 = arith.constant 0 : index
    %get3A_17 = arith.constant 0 : index
    %get3A_18 = vector.load %arg3[%get3A_16, %get3A_17] : memref<1x32xf32, #tpu.memory_space<vmem>>, vector<1x32xf32>
    %add3A_19 = vector.broadcast %get3A_18 : vector<1x32xf32> to vector<4096x32xf32>
    %add3A_20 = arith.addf %dot_general3A_15, %add3A_19 : vector<4096x32xf32>
    %swap3A = arith.constant 0 : index
    %swap3A_21 = arith.constant 0 : index
    %swap3A_22 = vector.load %arg6[%swap3A, %swap3A_21] : memref<4096x32xf32, #tpu.memory_space<vmem>>, vector<4096x32xf32>
    tpu.vector_store %arg6[%swap3A, %swap3A_21], %add3A_20 {strides = array<i32>} : memref<4096x32xf32, #tpu.memory_space<vmem>>, vector<4096x32xf32>,
    %reduce_sum3A = arith.constant dense<0.000000e+00> : vector<32xf32>
    %reduce_sum3A_23 = vector.multi_reduction <add>, %add3A_20, %reduce_sum3A [0] : vector<4096x32xf32> to vector<32xf32>
    %broadcast_in_dim3A = vector.shape_cast %reduce_sum3A_23 : vector<32xf32> to vector<1x32xf32>
    %broadcast_in_dim3A_24 = vector.shape_cast %broadcast_in_dim3A : vector<1x32xf32> to vector<1x32xf32>
    %broadcast_in_dim3A_25 = vector.broadcast %broadcast_in_dim3A_24 : vector<1x32xf32> to vector<8x32xf32>
    %swap3A_26 = arith.constant 0 : index
    %swap3A_27 = arith.constant 0 : index
    %swap3A_28 = vector.load %arg7[%swap3A_26, %swap3A_27] : memref<8x32xf32, #tpu.memory_space<vmem>>, vector<8x32xf32>
    tpu.vector_store %arg7[%swap3A_26, %swap3A_27], %broadcast_in_dim3A_25 {strides = array<i32>} : memref<8x32xf32, #tpu.memory_space<vmem>>, vector<8x32xf32>,
    %mul3A_29 = arith.mulf %add3A_20, %add3A_20 : vector<4096x32xf32>
    %reduce_sum3A_30 = arith.constant dense<0.000000e+00> : vector<32xf32>
    %reduce_sum3A_31 = vector.multi_reduction <add>, %mul3A_29, %reduce_sum3A_30 [0] : vector<4096x32xf32> to vector<32xf32>
    %broadcast_in_dim3A_32 = vector.shape_cast %reduce_sum3A_31 : vector<32xf32> to vector<1x32xf32>
    %broadcast_in_dim3A_33 = vector.shape_cast %broadcast_in_dim3A_32 : vector<1x32xf32> to vector<1x32xf32>
    %broadcast_in_dim3A_34 = vector.broadcast %broadcast_in_dim3A_33 : vector<1x32xf32> to vector<8x32xf32>
    %swap3A_35 = arith.constant 0 : index
    %swap3A_36 = arith.constant 0 : index
    %swap3A_37 = vector.load %arg8[%swap3A_35, %swap3A_36] : memref<8x32xf32, #tpu.memory_space<vmem>>, vector<8x32xf32>
    tpu.vector_store %arg8[%swap3A_35, %swap3A_36], %broadcast_in_dim3A_34 {strides = array<i32>} : memref<8x32xf32, #tpu.memory_space<vmem>>, vector<8x32xf32>,
    return
  }
  func.func @transform_0(%arg0: i32) -> (i32, i32) {
    %c0_i32 = arith.constant 0 : i32
    %c0_i32_0 = arith.constant 0 : i32
    return %arg0, %c0_i32 : i32, i32
  }
  func.func @transform_1(%arg0: i32) -> (i32, i32) {
    %c0_i32 = arith.constant 0 : i32
    %c0_i32_0 = arith.constant 0 : i32
    %c0_i32_1 = arith.constant 0 : i32
    return %c0_i32, %c0_i32_0 : i32, i32
  }
  func.func @transform_2(%arg0: i32) -> (i32, i32) {
    %c0_i32 = arith.constant 0 : i32
    %c0_i32_0 = arith.constant 0 : i32
    %c0_i32_1 = arith.constant 0 : i32
    return %c0_i32, %c0_i32_0 : i32, i32
  }
  func.func @transform_3(%arg0: i32) -> (i32, i32) {
    %c0_i32 = arith.constant 0 : i32
    %c0_i32_0 = arith.constant 0 : i32
    %c0_i32_1 = arith.constant 0 : i32
    return %c0_i32, %c0_i32_0 : i32, i32
  }
  func.func @transform_4(%arg0: i32) -> (i32, i32) {
    %c0_i32 = arith.constant 0 : i32
    %c0_i32_0 = arith.constant 0 : i32
    %c0_i32_1 = arith.constant 0 : i32
    return %c0_i32, %c0_i32_0 : i32, i32
  }
  func.func @transform_5(%arg0: i32) -> (i32, i32) {
    %c0_i32 = arith.constant 0 : i32
    %c0_i32_0 = arith.constant 0 : i32
    return %arg0, %c0_i32 : i32, i32
  }
  func.func @transform_6(%arg0: i32) -> (i32, i32) {
    %c0_i32 = arith.constant 0 : i32
    %c0_i32_0 = arith.constant 0 : i32
    return %arg0, %c0_i32 : i32, i32
  }
  func.func @transform_7(%arg0: i32) -> (i32, i32) {
    %c0_i32 = arith.constant 0 : i32
    %c0_i32_0 = arith.constant 0 : i32
    return %arg0, %c0_i32 : i32, i32
  }
}

module attributes {stable_mosaic.version = 14 : i64} {
  func.func @_mm_act_kernel(%arg0: i32, %arg1: memref<4096x32xf32, #tpu.memory_space<vmem>>, %arg2: memref<64x32xf32, #tpu.memory_space<vmem>>, %arg3: memref<1x64xf32, #tpu.memory_space<vmem>>, %arg4: memref<1x32xf32, #tpu.memory_space<vmem>>, %arg5: memref<1x32xf32, #tpu.memory_space<vmem>>, %arg6: memref<4096x64xf32, #tpu.memory_space<vmem>>, %arg7: memref<8x64xf32, #tpu.memory_space<vmem>>, %arg8: memref<8x64xf32, #tpu.memory_space<vmem>>) attributes {dimension_semantics = [#tpu.dimension_semantics<arbitrary>], iteration_bounds = array<i64: 16>, scalar_prefetch = 0 : i64, scratch_operands = 0 : i64, tpu.core_type = #tpu.core_type<tc>, window_params = [{transform_indices = @transform_0, window_bounds = array<i64: 4096, 32>}, {pipeline_mode = #tpu.pipeline_mode<synchronous>, transform_indices = @transform_1, window_bounds = array<i64: 64, 32>}, {pipeline_mode = #tpu.pipeline_mode<synchronous>, transform_indices = @transform_2, window_bounds = array<i64: 1, 64>}, {pipeline_mode = #tpu.pipeline_mode<synchronous>, transform_indices = @transform_3, window_bounds = array<i64: 1, 32>}, {pipeline_mode = #tpu.pipeline_mode<synchronous>, transform_indices = @transform_4, window_bounds = array<i64: 1, 32>}, {transform_indices = @transform_5, window_bounds = array<i64: 4096, 64>}, {transform_indices = @transform_6, window_bounds = array<i64: 8, 64>}, {transform_indices = @transform_7, window_bounds = array<i64: 8, 64>}]} {
    %get3A = arith.constant 0 : index
    %get3A_0 = arith.constant 0 : index
    %get3A_1 = vector.load %arg1[%get3A, %get3A_0] : memref<4096x32xf32, #tpu.memory_space<vmem>>, vector<4096x32xf32>
    %get3A_2 = arith.constant 0 : index
    %get3A_3 = arith.constant 0 : index
    %get3A_4 = vector.load %arg4[%get3A_2, %get3A_3] : memref<1x32xf32, #tpu.memory_space<vmem>>, vector<1x32xf32>
    %mul3A = vector.broadcast %get3A_4 : vector<1x32xf32> to vector<4096x32xf32>
    %mul3A_5 = arith.mulf %get3A_1, %mul3A : vector<4096x32xf32>
    %get3A_6 = arith.constant 0 : index
    %get3A_7 = arith.constant 0 : index
    %get3A_8 = vector.load %arg5[%get3A_6, %get3A_7] : memref<1x32xf32, #tpu.memory_space<vmem>>, vector<1x32xf32>
    %add3A = vector.broadcast %get3A_8 : vector<1x32xf32> to vector<4096x32xf32>
    %add3A_9 = arith.addf %mul3A_5, %add3A : vector<4096x32xf32>
    %max3A = arith.constant 0.000000e+00 : f32
    %max3A_10 = vector.broadcast %max3A : f32 to vector<4096x32xf32>
    %max3A_11 = arith.maximumf %add3A_9, %max3A_10 : vector<4096x32xf32>
    %get3A_12 = arith.constant 0 : index
    %get3A_13 = arith.constant 0 : index
    %get3A_14 = vector.load %arg2[%get3A_12, %get3A_13] : memref<64x32xf32, #tpu.memory_space<vmem>>, vector<64x32xf32>
    %transpose3A = tpu.transpose %get3A_14, [1, 0] : vector<64x32xf32> -> vector<32x64xf32>
    %dot_general3A = arith.constant dense<0.000000e+00> : vector<4096x64xf32>
    %dot_general3A_15 = tpu.matmul %max3A_11, %transpose3A, %dot_general3A {dimension_numbers = #tpu.dot_dimension_numbers<[1], [0], [0], [1], [0, 0, 1, 1], [], []>, transpose_lhs_hint = false} : vector<4096x32xf32>, vector<32x64xf32>, vector<4096x64xf32> -> vector<4096x64xf32>
    %get3A_16 = arith.constant 0 : index
    %get3A_17 = arith.constant 0 : index
    %get3A_18 = vector.load %arg3[%get3A_16, %get3A_17] : memref<1x64xf32, #tpu.memory_space<vmem>>, vector<1x64xf32>
    %add3A_19 = vector.broadcast %get3A_18 : vector<1x64xf32> to vector<4096x64xf32>
    %add3A_20 = arith.addf %dot_general3A_15, %add3A_19 : vector<4096x64xf32>
    %swap3A = arith.constant 0 : index
    %swap3A_21 = arith.constant 0 : index
    %swap3A_22 = vector.load %arg6[%swap3A, %swap3A_21] : memref<4096x64xf32, #tpu.memory_space<vmem>>, vector<4096x64xf32>
    tpu.vector_store %arg6[%swap3A, %swap3A_21], %add3A_20 {strides = array<i32>} : memref<4096x64xf32, #tpu.memory_space<vmem>>, vector<4096x64xf32>,
    %reduce_sum3A = arith.constant dense<0.000000e+00> : vector<64xf32>
    %reduce_sum3A_23 = vector.multi_reduction <add>, %add3A_20, %reduce_sum3A [0] : vector<4096x64xf32> to vector<64xf32>
    %broadcast_in_dim3A = vector.shape_cast %reduce_sum3A_23 : vector<64xf32> to vector<1x64xf32>
    %broadcast_in_dim3A_24 = vector.shape_cast %broadcast_in_dim3A : vector<1x64xf32> to vector<1x64xf32>
    %broadcast_in_dim3A_25 = vector.broadcast %broadcast_in_dim3A_24 : vector<1x64xf32> to vector<8x64xf32>
    %swap3A_26 = arith.constant 0 : index
    %swap3A_27 = arith.constant 0 : index
    %swap3A_28 = vector.load %arg7[%swap3A_26, %swap3A_27] : memref<8x64xf32, #tpu.memory_space<vmem>>, vector<8x64xf32>
    tpu.vector_store %arg7[%swap3A_26, %swap3A_27], %broadcast_in_dim3A_25 {strides = array<i32>} : memref<8x64xf32, #tpu.memory_space<vmem>>, vector<8x64xf32>,
    %mul3A_29 = arith.mulf %add3A_20, %add3A_20 : vector<4096x64xf32>
    %reduce_sum3A_30 = arith.constant dense<0.000000e+00> : vector<64xf32>
    %reduce_sum3A_31 = vector.multi_reduction <add>, %mul3A_29, %reduce_sum3A_30 [0] : vector<4096x64xf32> to vector<64xf32>
    %broadcast_in_dim3A_32 = vector.shape_cast %reduce_sum3A_31 : vector<64xf32> to vector<1x64xf32>
    %broadcast_in_dim3A_33 = vector.shape_cast %broadcast_in_dim3A_32 : vector<1x64xf32> to vector<1x64xf32>
    %broadcast_in_dim3A_34 = vector.broadcast %broadcast_in_dim3A_33 : vector<1x64xf32> to vector<8x64xf32>
    %swap3A_35 = arith.constant 0 : index
    %swap3A_36 = arith.constant 0 : index
    %swap3A_37 = vector.load %arg8[%swap3A_35, %swap3A_36] : memref<8x64xf32, #tpu.memory_space<vmem>>, vector<8x64xf32>
    tpu.vector_store %arg8[%swap3A_35, %swap3A_36], %broadcast_in_dim3A_34 {strides = array<i32>} : memref<8x64xf32, #tpu.memory_space<vmem>>, vector<8x64xf32>,
    return
  }
  func.func @transform_0(%arg0: i32) -> (i32, i32) {
    %c0_i32 = arith.constant 0 : i32
    %c0_i32_0 = arith.constant 0 : i32
    return %arg0, %c0_i32 : i32, i32
  }
  func.func @transform_1(%arg0: i32) -> (i32, i32) {
    %c0_i32 = arith.constant 0 : i32
    %c0_i32_0 = arith.constant 0 : i32
    %c0_i32_1 = arith.constant 0 : i32
    return %c0_i32, %c0_i32_0 : i32, i32
  }
  func.func @transform_2(%arg0: i32) -> (i32, i32) {
    %c0_i32 = arith.constant 0 : i32
    %c0_i32_0 = arith.constant 0 : i32
    %c0_i32_1 = arith.constant 0 : i32
    return %c0_i32, %c0_i32_0 : i32, i32
  }
  func.func @transform_3(%arg0: i32) -> (i32, i32) {
    %c0_i32 = arith.constant 0 : i32
    %c0_i32_0 = arith.constant 0 : i32
    %c0_i32_1 = arith.constant 0 : i32
    return %c0_i32, %c0_i32_0 : i32, i32
  }
  func.func @transform_4(%arg0: i32) -> (i32, i32) {
    %c0_i32 = arith.constant 0 : i32
    %c0_i32_0 = arith.constant 0 : i32
    %c0_i32_1 = arith.constant 0 : i32
    return %c0_i32, %c0_i32_0 : i32, i32
  }
  func.func @transform_5(%arg0: i32) -> (i32, i32) {
    %c0_i32 = arith.constant 0 : i32
    %c0_i32_0 = arith.constant 0 : i32
    return %arg0, %c0_i32 : i32, i32
  }
  func.func @transform_6(%arg0: i32) -> (i32, i32) {
    %c0_i32 = arith.constant 0 : i32
    %c0_i32_0 = arith.constant 0 : i32
    return %arg0, %c0_i32 : i32, i32
  }
  func.func @transform_7(%arg0: i32) -> (i32, i32) {
    %c0_i32 = arith.constant 0 : i32
    %c0_i32_0 = arith.constant 0 : i32
    return %arg0, %c0_i32 : i32, i32
  }
}

module attributes {stable_mosaic.version = 14 : i64} {
  func.func @_mm_kernel(%arg0: i32, %arg1: memref<4096x3xf32, #tpu.memory_space<vmem>>, %arg2: memref<64x3xf32, #tpu.memory_space<vmem>>, %arg3: memref<1x64xf32, #tpu.memory_space<vmem>>, %arg4: memref<4096x64xf32, #tpu.memory_space<vmem>>, %arg5: memref<8x64xf32, #tpu.memory_space<vmem>>, %arg6: memref<8x64xf32, #tpu.memory_space<vmem>>) attributes {dimension_semantics = [#tpu.dimension_semantics<arbitrary>], iteration_bounds = array<i64: 32>, scalar_prefetch = 0 : i64, scratch_operands = 0 : i64, tpu.core_type = #tpu.core_type<tc>, window_params = [{transform_indices = @transform_0, window_bounds = array<i64: 4096, 3>}, {pipeline_mode = #tpu.pipeline_mode<synchronous>, transform_indices = @transform_1, window_bounds = array<i64: 64, 3>}, {pipeline_mode = #tpu.pipeline_mode<synchronous>, transform_indices = @transform_2, window_bounds = array<i64: 1, 64>}, {transform_indices = @transform_3, window_bounds = array<i64: 4096, 64>}, {transform_indices = @transform_4, window_bounds = array<i64: 8, 64>}, {transform_indices = @transform_5, window_bounds = array<i64: 8, 64>}]} {
    %get3A = arith.constant 0 : index
    %get3A_0 = arith.constant 0 : index
    %get3A_1 = vector.load %arg1[%get3A, %get3A_0] : memref<4096x3xf32, #tpu.memory_space<vmem>>, vector<4096x3xf32>
    %get3A_2 = arith.constant 0 : index
    %get3A_3 = arith.constant 0 : index
    %get3A_4 = vector.load %arg2[%get3A_2, %get3A_3] : memref<64x3xf32, #tpu.memory_space<vmem>>, vector<64x3xf32>
    %transpose3A = tpu.transpose %get3A_4, [1, 0] : vector<64x3xf32> -> vector<3x64xf32>
    %dot_general3A = arith.constant dense<0.000000e+00> : vector<4096x64xf32>
    %dot_general3A_5 = tpu.matmul %get3A_1, %transpose3A, %dot_general3A {dimension_numbers = #tpu.dot_dimension_numbers<[1], [0], [0], [1], [0, 0, 1, 1], [], []>, transpose_lhs_hint = false} : vector<4096x3xf32>, vector<3x64xf32>, vector<4096x64xf32> -> vector<4096x64xf32>
    %get3A_6 = arith.constant 0 : index
    %get3A_7 = arith.constant 0 : index
    %get3A_8 = vector.load %arg3[%get3A_6, %get3A_7] : memref<1x64xf32, #tpu.memory_space<vmem>>, vector<1x64xf32>
    %add3A = vector.broadcast %get3A_8 : vector<1x64xf32> to vector<4096x64xf32>
    %add3A_9 = arith.addf %dot_general3A_5, %add3A : vector<4096x64xf32>
    %swap3A = arith.constant 0 : index
    %swap3A_10 = arith.constant 0 : index
    %swap3A_11 = vector.load %arg4[%swap3A, %swap3A_10] : memref<4096x64xf32, #tpu.memory_space<vmem>>, vector<4096x64xf32>
    tpu.vector_store %arg4[%swap3A, %swap3A_10], %add3A_9 {strides = array<i32>} : memref<4096x64xf32, #tpu.memory_space<vmem>>, vector<4096x64xf32>,
    %reduce_sum3A = arith.constant dense<0.000000e+00> : vector<64xf32>
    %reduce_sum3A_12 = vector.multi_reduction <add>, %add3A_9, %reduce_sum3A [0] : vector<4096x64xf32> to vector<64xf32>
    %broadcast_in_dim3A = vector.shape_cast %reduce_sum3A_12 : vector<64xf32> to vector<1x64xf32>
    %broadcast_in_dim3A_13 = vector.shape_cast %broadcast_in_dim3A : vector<1x64xf32> to vector<1x64xf32>
    %broadcast_in_dim3A_14 = vector.broadcast %broadcast_in_dim3A_13 : vector<1x64xf32> to vector<8x64xf32>
    %swap3A_15 = arith.constant 0 : index
    %swap3A_16 = arith.constant 0 : index
    %swap3A_17 = vector.load %arg5[%swap3A_15, %swap3A_16] : memref<8x64xf32, #tpu.memory_space<vmem>>, vector<8x64xf32>
    tpu.vector_store %arg5[%swap3A_15, %swap3A_16], %broadcast_in_dim3A_14 {strides = array<i32>} : memref<8x64xf32, #tpu.memory_space<vmem>>, vector<8x64xf32>,
    %mul3A = arith.mulf %add3A_9, %add3A_9 : vector<4096x64xf32>
    %reduce_sum3A_18 = arith.constant dense<0.000000e+00> : vector<64xf32>
    %reduce_sum3A_19 = vector.multi_reduction <add>, %mul3A, %reduce_sum3A_18 [0] : vector<4096x64xf32> to vector<64xf32>
    %broadcast_in_dim3A_20 = vector.shape_cast %reduce_sum3A_19 : vector<64xf32> to vector<1x64xf32>
    %broadcast_in_dim3A_21 = vector.shape_cast %broadcast_in_dim3A_20 : vector<1x64xf32> to vector<1x64xf32>
    %broadcast_in_dim3A_22 = vector.broadcast %broadcast_in_dim3A_21 : vector<1x64xf32> to vector<8x64xf32>
    %swap3A_23 = arith.constant 0 : index
    %swap3A_24 = arith.constant 0 : index
    %swap3A_25 = vector.load %arg6[%swap3A_23, %swap3A_24] : memref<8x64xf32, #tpu.memory_space<vmem>>, vector<8x64xf32>
    tpu.vector_store %arg6[%swap3A_23, %swap3A_24], %broadcast_in_dim3A_22 {strides = array<i32>} : memref<8x64xf32, #tpu.memory_space<vmem>>, vector<8x64xf32>,
    return
  }
  func.func @transform_0(%arg0: i32) -> (i32, i32) {
    %c0_i32 = arith.constant 0 : i32
    %c0_i32_0 = arith.constant 0 : i32
    return %arg0, %c0_i32 : i32, i32
  }
  func.func @transform_1(%arg0: i32) -> (i32, i32) {
    %c0_i32 = arith.constant 0 : i32
    %c0_i32_0 = arith.constant 0 : i32
    %c0_i32_1 = arith.constant 0 : i32
    return %c0_i32, %c0_i32_0 : i32, i32
  }
  func.func @transform_2(%arg0: i32) -> (i32, i32) {
    %c0_i32 = arith.constant 0 : i32
    %c0_i32_0 = arith.constant 0 : i32
    %c0_i32_1 = arith.constant 0 : i32
    return %c0_i32, %c0_i32_0 : i32, i32
  }
  func.func @transform_3(%arg0: i32) -> (i32, i32) {
    %c0_i32 = arith.constant 0 : i32
    %c0_i32_0 = arith.constant 0 : i32
    return %arg0, %c0_i32 : i32, i32
  }
  func.func @transform_4(%arg0: i32) -> (i32, i32) {
    %c0_i32 = arith.constant 0 : i32
    %c0_i32_0 = arith.constant 0 : i32
    return %arg0, %c0_i32 : i32, i32
  }
  func.func @transform_5(%arg0: i32) -> (i32, i32) {
    %c0_i32 = arith.constant 0 : i32
    %c0_i32_0 = arith.constant 0 : i32
    return %arg0, %c0_i32 : i32, i32
  }
}

module attributes {stable_mosaic.version = 14 : i64} {
  func.func @_mm_act_kernel(%arg0: i32, %arg1: memref<4096x64xf32, #tpu.memory_space<vmem>>, %arg2: memref<64x64xf32, #tpu.memory_space<vmem>>, %arg3: memref<1x64xf32, #tpu.memory_space<vmem>>, %arg4: memref<1x64xf32, #tpu.memory_space<vmem>>, %arg5: memref<1x64xf32, #tpu.memory_space<vmem>>, %arg6: memref<4096x64xf32, #tpu.memory_space<vmem>>, %arg7: memref<8x64xf32, #tpu.memory_space<vmem>>, %arg8: memref<8x64xf32, #tpu.memory_space<vmem>>) attributes {dimension_semantics = [#tpu.dimension_semantics<arbitrary>], iteration_bounds = array<i64: 32>, scalar_prefetch = 0 : i64, scratch_operands = 0 : i64, tpu.core_type = #tpu.core_type<tc>, window_params = [{transform_indices = @transform_0, window_bounds = array<i64: 4096, 64>}, {pipeline_mode = #tpu.pipeline_mode<synchronous>, transform_indices = @transform_1, window_bounds = array<i64: 64, 64>}, {pipeline_mode = #tpu.pipeline_mode<synchronous>, transform_indices = @transform_2, window_bounds = array<i64: 1, 64>}, {pipeline_mode = #tpu.pipeline_mode<synchronous>, transform_indices = @transform_3, window_bounds = array<i64: 1, 64>}, {pipeline_mode = #tpu.pipeline_mode<synchronous>, transform_indices = @transform_4, window_bounds = array<i64: 1, 64>}, {transform_indices = @transform_5, window_bounds = array<i64: 4096, 64>}, {transform_indices = @transform_6, window_bounds = array<i64: 8, 64>}, {transform_indices = @transform_7, window_bounds = array<i64: 8, 64>}]} {
    %get3A = arith.constant 0 : index
    %get3A_0 = arith.constant 0 : index
    %get3A_1 = vector.load %arg1[%get3A, %get3A_0] : memref<4096x64xf32, #tpu.memory_space<vmem>>, vector<4096x64xf32>
    %get3A_2 = arith.constant 0 : index
    %get3A_3 = arith.constant 0 : index
    %get3A_4 = vector.load %arg4[%get3A_2, %get3A_3] : memref<1x64xf32, #tpu.memory_space<vmem>>, vector<1x64xf32>
    %mul3A = vector.broadcast %get3A_4 : vector<1x64xf32> to vector<4096x64xf32>
    %mul3A_5 = arith.mulf %get3A_1, %mul3A : vector<4096x64xf32>
    %get3A_6 = arith.constant 0 : index
    %get3A_7 = arith.constant 0 : index
    %get3A_8 = vector.load %arg5[%get3A_6, %get3A_7] : memref<1x64xf32, #tpu.memory_space<vmem>>, vector<1x64xf32>
    %add3A = vector.broadcast %get3A_8 : vector<1x64xf32> to vector<4096x64xf32>
    %add3A_9 = arith.addf %mul3A_5, %add3A : vector<4096x64xf32>
    %max3A = arith.constant 0.000000e+00 : f32
    %max3A_10 = vector.broadcast %max3A : f32 to vector<4096x64xf32>
    %max3A_11 = arith.maximumf %add3A_9, %max3A_10 : vector<4096x64xf32>
    %get3A_12 = arith.constant 0 : index
    %get3A_13 = arith.constant 0 : index
    %get3A_14 = vector.load %arg2[%get3A_12, %get3A_13] : memref<64x64xf32, #tpu.memory_space<vmem>>, vector<64x64xf32>
    %transpose3A = tpu.transpose %get3A_14, [1, 0] : vector<64x64xf32> -> vector<64x64xf32>
    %dot_general3A = arith.constant dense<0.000000e+00> : vector<4096x64xf32>
    %dot_general3A_15 = tpu.matmul %max3A_11, %transpose3A, %dot_general3A {dimension_numbers = #tpu.dot_dimension_numbers<[1], [0], [0], [1], [0, 0, 1, 1], [], []>, transpose_lhs_hint = false} : vector<4096x64xf32>, vector<64x64xf32>, vector<4096x64xf32> -> vector<4096x64xf32>
    %get3A_16 = arith.constant 0 : index
    %get3A_17 = arith.constant 0 : index
    %get3A_18 = vector.load %arg3[%get3A_16, %get3A_17] : memref<1x64xf32, #tpu.memory_space<vmem>>, vector<1x64xf32>
    %add3A_19 = vector.broadcast %get3A_18 : vector<1x64xf32> to vector<4096x64xf32>
    %add3A_20 = arith.addf %dot_general3A_15, %add3A_19 : vector<4096x64xf32>
    %swap3A = arith.constant 0 : index
    %swap3A_21 = arith.constant 0 : index
    %swap3A_22 = vector.load %arg6[%swap3A, %swap3A_21] : memref<4096x64xf32, #tpu.memory_space<vmem>>, vector<4096x64xf32>
    tpu.vector_store %arg6[%swap3A, %swap3A_21], %add3A_20 {strides = array<i32>} : memref<4096x64xf32, #tpu.memory_space<vmem>>, vector<4096x64xf32>,
    %reduce_sum3A = arith.constant dense<0.000000e+00> : vector<64xf32>
    %reduce_sum3A_23 = vector.multi_reduction <add>, %add3A_20, %reduce_sum3A [0] : vector<4096x64xf32> to vector<64xf32>
    %broadcast_in_dim3A = vector.shape_cast %reduce_sum3A_23 : vector<64xf32> to vector<1x64xf32>
    %broadcast_in_dim3A_24 = vector.shape_cast %broadcast_in_dim3A : vector<1x64xf32> to vector<1x64xf32>
    %broadcast_in_dim3A_25 = vector.broadcast %broadcast_in_dim3A_24 : vector<1x64xf32> to vector<8x64xf32>
    %swap3A_26 = arith.constant 0 : index
    %swap3A_27 = arith.constant 0 : index
    %swap3A_28 = vector.load %arg7[%swap3A_26, %swap3A_27] : memref<8x64xf32, #tpu.memory_space<vmem>>, vector<8x64xf32>
    tpu.vector_store %arg7[%swap3A_26, %swap3A_27], %broadcast_in_dim3A_25 {strides = array<i32>} : memref<8x64xf32, #tpu.memory_space<vmem>>, vector<8x64xf32>,
    %mul3A_29 = arith.mulf %add3A_20, %add3A_20 : vector<4096x64xf32>
    %reduce_sum3A_30 = arith.constant dense<0.000000e+00> : vector<64xf32>
    %reduce_sum3A_31 = vector.multi_reduction <add>, %mul3A_29, %reduce_sum3A_30 [0] : vector<4096x64xf32> to vector<64xf32>
    %broadcast_in_dim3A_32 = vector.shape_cast %reduce_sum3A_31 : vector<64xf32> to vector<1x64xf32>
    %broadcast_in_dim3A_33 = vector.shape_cast %broadcast_in_dim3A_32 : vector<1x64xf32> to vector<1x64xf32>
    %broadcast_in_dim3A_34 = vector.broadcast %broadcast_in_dim3A_33 : vector<1x64xf32> to vector<8x64xf32>
    %swap3A_35 = arith.constant 0 : index
    %swap3A_36 = arith.constant 0 : index
    %swap3A_37 = vector.load %arg8[%swap3A_35, %swap3A_36] : memref<8x64xf32, #tpu.memory_space<vmem>>, vector<8x64xf32>
    tpu.vector_store %arg8[%swap3A_35, %swap3A_36], %broadcast_in_dim3A_34 {strides = array<i32>} : memref<8x64xf32, #tpu.memory_space<vmem>>, vector<8x64xf32>,
    return
  }
  func.func @transform_0(%arg0: i32) -> (i32, i32) {
    %c0_i32 = arith.constant 0 : i32
    %c0_i32_0 = arith.constant 0 : i32
    return %arg0, %c0_i32 : i32, i32
  }
  func.func @transform_1(%arg0: i32) -> (i32, i32) {
    %c0_i32 = arith.constant 0 : i32
    %c0_i32_0 = arith.constant 0 : i32
    %c0_i32_1 = arith.constant 0 : i32
    return %c0_i32, %c0_i32_0 : i32, i32
  }
  func.func @transform_2(%arg0: i32) -> (i32, i32) {
    %c0_i32 = arith.constant 0 : i32
    %c0_i32_0 = arith.constant 0 : i32
    %c0_i32_1 = arith.constant 0 : i32
    return %c0_i32, %c0_i32_0 : i32, i32
  }
  func.func @transform_3(%arg0: i32) -> (i32, i32) {
    %c0_i32 = arith.constant 0 : i32
    %c0_i32_0 = arith.constant 0 : i32
    %c0_i32_1 = arith.constant 0 : i32
    return %c0_i32, %c0_i32_0 : i32, i32
  }
  func.func @transform_4(%arg0: i32) -> (i32, i32) {
    %c0_i32 = arith.constant 0 : i32
    %c0_i32_0 = arith.constant 0 : i32
    %c0_i32_1 = arith.constant 0 : i32
    return %c0_i32, %c0_i32_0 : i32, i32
  }
  func.func @transform_5(%arg0: i32) -> (i32, i32) {
    %c0_i32 = arith.constant 0 : i32
    %c0_i32_0 = arith.constant 0 : i32
    return %arg0, %c0_i32 : i32, i32
  }
  func.func @transform_6(%arg0: i32) -> (i32, i32) {
    %c0_i32 = arith.constant 0 : i32
    %c0_i32_0 = arith.constant 0 : i32
    return %arg0, %c0_i32 : i32, i32
  }
  func.func @transform_7(%arg0: i32) -> (i32, i32) {
    %c0_i32 = arith.constant 0 : i32
    %c0_i32_0 = arith.constant 0 : i32
    return %arg0, %c0_i32 : i32, i32
  }
}

module attributes {stable_mosaic.version = 14 : i64} {
  func.func @_mm_act_kernel(%arg0: i32, %arg1: memref<4096x64xf32, #tpu.memory_space<vmem>>, %arg2: memref<128x64xf32, #tpu.memory_space<vmem>>, %arg3: memref<1x128xf32, #tpu.memory_space<vmem>>, %arg4: memref<1x64xf32, #tpu.memory_space<vmem>>, %arg5: memref<1x64xf32, #tpu.memory_space<vmem>>, %arg6: memref<4096x128xf32, #tpu.memory_space<vmem>>, %arg7: memref<8x128xf32, #tpu.memory_space<vmem>>, %arg8: memref<8x128xf32, #tpu.memory_space<vmem>>) attributes {dimension_semantics = [#tpu.dimension_semantics<arbitrary>], iteration_bounds = array<i64: 32>, scalar_prefetch = 0 : i64, scratch_operands = 0 : i64, tpu.core_type = #tpu.core_type<tc>, window_params = [{transform_indices = @transform_0, window_bounds = array<i64: 4096, 64>}, {pipeline_mode = #tpu.pipeline_mode<synchronous>, transform_indices = @transform_1, window_bounds = array<i64: 128, 64>}, {pipeline_mode = #tpu.pipeline_mode<synchronous>, transform_indices = @transform_2, window_bounds = array<i64: 1, 128>}, {pipeline_mode = #tpu.pipeline_mode<synchronous>, transform_indices = @transform_3, window_bounds = array<i64: 1, 64>}, {pipeline_mode = #tpu.pipeline_mode<synchronous>, transform_indices = @transform_4, window_bounds = array<i64: 1, 64>}, {transform_indices = @transform_5, window_bounds = array<i64: 4096, 128>}, {transform_indices = @transform_6, window_bounds = array<i64: 8, 128>}, {transform_indices = @transform_7, window_bounds = array<i64: 8, 128>}]} {
    %get3A = arith.constant 0 : index
    %get3A_0 = arith.constant 0 : index
    %get3A_1 = vector.load %arg1[%get3A, %get3A_0] : memref<4096x64xf32, #tpu.memory_space<vmem>>, vector<4096x64xf32>
    %get3A_2 = arith.constant 0 : index
    %get3A_3 = arith.constant 0 : index
    %get3A_4 = vector.load %arg4[%get3A_2, %get3A_3] : memref<1x64xf32, #tpu.memory_space<vmem>>, vector<1x64xf32>
    %mul3A = vector.broadcast %get3A_4 : vector<1x64xf32> to vector<4096x64xf32>
    %mul3A_5 = arith.mulf %get3A_1, %mul3A : vector<4096x64xf32>
    %get3A_6 = arith.constant 0 : index
    %get3A_7 = arith.constant 0 : index
    %get3A_8 = vector.load %arg5[%get3A_6, %get3A_7] : memref<1x64xf32, #tpu.memory_space<vmem>>, vector<1x64xf32>
    %add3A = vector.broadcast %get3A_8 : vector<1x64xf32> to vector<4096x64xf32>
    %add3A_9 = arith.addf %mul3A_5, %add3A : vector<4096x64xf32>
    %max3A = arith.constant 0.000000e+00 : f32
    %max3A_10 = vector.broadcast %max3A : f32 to vector<4096x64xf32>
    %max3A_11 = arith.maximumf %add3A_9, %max3A_10 : vector<4096x64xf32>
    %get3A_12 = arith.constant 0 : index
    %get3A_13 = arith.constant 0 : index
    %get3A_14 = vector.load %arg2[%get3A_12, %get3A_13] : memref<128x64xf32, #tpu.memory_space<vmem>>, vector<128x64xf32>
    %transpose3A = tpu.transpose %get3A_14, [1, 0] : vector<128x64xf32> -> vector<64x128xf32>
    %dot_general3A = arith.constant dense<0.000000e+00> : vector<4096x128xf32>
    %dot_general3A_15 = tpu.matmul %max3A_11, %transpose3A, %dot_general3A {dimension_numbers = #tpu.dot_dimension_numbers<[1], [0], [0], [1], [0, 0, 1, 1], [], []>, transpose_lhs_hint = false} : vector<4096x64xf32>, vector<64x128xf32>, vector<4096x128xf32> -> vector<4096x128xf32>
    %get3A_16 = arith.constant 0 : index
    %get3A_17 = arith.constant 0 : index
    %get3A_18 = vector.load %arg3[%get3A_16, %get3A_17] : memref<1x128xf32, #tpu.memory_space<vmem>>, vector<1x128xf32>
    %add3A_19 = vector.broadcast %get3A_18 : vector<1x128xf32> to vector<4096x128xf32>
    %add3A_20 = arith.addf %dot_general3A_15, %add3A_19 : vector<4096x128xf32>
    %swap3A = arith.constant 0 : index
    %swap3A_21 = arith.constant 0 : index
    %swap3A_22 = vector.load %arg6[%swap3A, %swap3A_21] : memref<4096x128xf32, #tpu.memory_space<vmem>>, vector<4096x128xf32>
    tpu.vector_store %arg6[%swap3A, %swap3A_21], %add3A_20 {strides = array<i32>} : memref<4096x128xf32, #tpu.memory_space<vmem>>, vector<4096x128xf32>,
    %reduce_sum3A = arith.constant dense<0.000000e+00> : vector<128xf32>
    %reduce_sum3A_23 = vector.multi_reduction <add>, %add3A_20, %reduce_sum3A [0] : vector<4096x128xf32> to vector<128xf32>
    %broadcast_in_dim3A = vector.shape_cast %reduce_sum3A_23 : vector<128xf32> to vector<1x128xf32>
    %broadcast_in_dim3A_24 = vector.shape_cast %broadcast_in_dim3A : vector<1x128xf32> to vector<1x128xf32>
    %broadcast_in_dim3A_25 = vector.broadcast %broadcast_in_dim3A_24 : vector<1x128xf32> to vector<8x128xf32>
    %swap3A_26 = arith.constant 0 : index
    %swap3A_27 = arith.constant 0 : index
    %swap3A_28 = vector.load %arg7[%swap3A_26, %swap3A_27] : memref<8x128xf32, #tpu.memory_space<vmem>>, vector<8x128xf32>
    tpu.vector_store %arg7[%swap3A_26, %swap3A_27], %broadcast_in_dim3A_25 {strides = array<i32>} : memref<8x128xf32, #tpu.memory_space<vmem>>, vector<8x128xf32>,
    %mul3A_29 = arith.mulf %add3A_20, %add3A_20 : vector<4096x128xf32>
    %reduce_sum3A_30 = arith.constant dense<0.000000e+00> : vector<128xf32>
    %reduce_sum3A_31 = vector.multi_reduction <add>, %mul3A_29, %reduce_sum3A_30 [0] : vector<4096x128xf32> to vector<128xf32>
    %broadcast_in_dim3A_32 = vector.shape_cast %reduce_sum3A_31 : vector<128xf32> to vector<1x128xf32>
    %broadcast_in_dim3A_33 = vector.shape_cast %broadcast_in_dim3A_32 : vector<1x128xf32> to vector<1x128xf32>
    %broadcast_in_dim3A_34 = vector.broadcast %broadcast_in_dim3A_33 : vector<1x128xf32> to vector<8x128xf32>
    %swap3A_35 = arith.constant 0 : index
    %swap3A_36 = arith.constant 0 : index
    %swap3A_37 = vector.load %arg8[%swap3A_35, %swap3A_36] : memref<8x128xf32, #tpu.memory_space<vmem>>, vector<8x128xf32>
    tpu.vector_store %arg8[%swap3A_35, %swap3A_36], %broadcast_in_dim3A_34 {strides = array<i32>} : memref<8x128xf32, #tpu.memory_space<vmem>>, vector<8x128xf32>,
    return
  }
  func.func @transform_0(%arg0: i32) -> (i32, i32) {
    %c0_i32 = arith.constant 0 : i32
    %c0_i32_0 = arith.constant 0 : i32
    return %arg0, %c0_i32 : i32, i32
  }
  func.func @transform_1(%arg0: i32) -> (i32, i32) {
    %c0_i32 = arith.constant 0 : i32
    %c0_i32_0 = arith.constant 0 : i32
    %c0_i32_1 = arith.constant 0 : i32
    return %c0_i32, %c0_i32_0 : i32, i32
  }
  func.func @transform_2(%arg0: i32) -> (i32, i32) {
    %c0_i32 = arith.constant 0 : i32
    %c0_i32_0 = arith.constant 0 : i32
    %c0_i32_1 = arith.constant 0 : i32
    return %c0_i32, %c0_i32_0 : i32, i32
  }
  func.func @transform_3(%arg0: i32) -> (i32, i32) {
    %c0_i32 = arith.constant 0 : i32
    %c0_i32_0 = arith.constant 0 : i32
    %c0_i32_1 = arith.constant 0 : i32
    return %c0_i32, %c0_i32_0 : i32, i32
  }
  func.func @transform_4(%arg0: i32) -> (i32, i32) {
    %c0_i32 = arith.constant 0 : i32
    %c0_i32_0 = arith.constant 0 : i32
    %c0_i32_1 = arith.constant 0 : i32
    return %c0_i32, %c0_i32_0 : i32, i32
  }
  func.func @transform_5(%arg0: i32) -> (i32, i32) {
    %c0_i32 = arith.constant 0 : i32
    %c0_i32_0 = arith.constant 0 : i32
    return %arg0, %c0_i32 : i32, i32
  }
  func.func @transform_6(%arg0: i32) -> (i32, i32) {
    %c0_i32 = arith.constant 0 : i32
    %c0_i32_0 = arith.constant 0 : i32
    return %arg0, %c0_i32 : i32, i32
  }
  func.func @transform_7(%arg0: i32) -> (i32, i32) {
    %c0_i32 = arith.constant 0 : i32
    %c0_i32_0 = arith.constant 0 : i32
    return %arg0, %c0_i32 : i32, i32
  }
}

module attributes {stable_mosaic.version = 14 : i64} {
  func.func @_mm_kernel(%arg0: i32, %arg1: memref<4096x3xf32, #tpu.memory_space<vmem>>, %arg2: memref<64x3xf32, #tpu.memory_space<vmem>>, %arg3: memref<1x64xf32, #tpu.memory_space<vmem>>, %arg4: memref<4096x64xf32, #tpu.memory_space<vmem>>, %arg5: memref<8x64xf32, #tpu.memory_space<vmem>>, %arg6: memref<8x64xf32, #tpu.memory_space<vmem>>) attributes {dimension_semantics = [#tpu.dimension_semantics<arbitrary>], iteration_bounds = array<i64: 128>, scalar_prefetch = 0 : i64, scratch_operands = 0 : i64, tpu.core_type = #tpu.core_type<tc>, window_params = [{transform_indices = @transform_0, window_bounds = array<i64: 4096, 3>}, {pipeline_mode = #tpu.pipeline_mode<synchronous>, transform_indices = @transform_1, window_bounds = array<i64: 64, 3>}, {pipeline_mode = #tpu.pipeline_mode<synchronous>, transform_indices = @transform_2, window_bounds = array<i64: 1, 64>}, {transform_indices = @transform_3, window_bounds = array<i64: 4096, 64>}, {transform_indices = @transform_4, window_bounds = array<i64: 8, 64>}, {transform_indices = @transform_5, window_bounds = array<i64: 8, 64>}]} {
    %get3A = arith.constant 0 : index
    %get3A_0 = arith.constant 0 : index
    %get3A_1 = vector.load %arg1[%get3A, %get3A_0] : memref<4096x3xf32, #tpu.memory_space<vmem>>, vector<4096x3xf32>
    %get3A_2 = arith.constant 0 : index
    %get3A_3 = arith.constant 0 : index
    %get3A_4 = vector.load %arg2[%get3A_2, %get3A_3] : memref<64x3xf32, #tpu.memory_space<vmem>>, vector<64x3xf32>
    %transpose3A = tpu.transpose %get3A_4, [1, 0] : vector<64x3xf32> -> vector<3x64xf32>
    %dot_general3A = arith.constant dense<0.000000e+00> : vector<4096x64xf32>
    %dot_general3A_5 = tpu.matmul %get3A_1, %transpose3A, %dot_general3A {dimension_numbers = #tpu.dot_dimension_numbers<[1], [0], [0], [1], [0, 0, 1, 1], [], []>, transpose_lhs_hint = false} : vector<4096x3xf32>, vector<3x64xf32>, vector<4096x64xf32> -> vector<4096x64xf32>
    %get3A_6 = arith.constant 0 : index
    %get3A_7 = arith.constant 0 : index
    %get3A_8 = vector.load %arg3[%get3A_6, %get3A_7] : memref<1x64xf32, #tpu.memory_space<vmem>>, vector<1x64xf32>
    %add3A = vector.broadcast %get3A_8 : vector<1x64xf32> to vector<4096x64xf32>
    %add3A_9 = arith.addf %dot_general3A_5, %add3A : vector<4096x64xf32>
    %swap3A = arith.constant 0 : index
    %swap3A_10 = arith.constant 0 : index
    %swap3A_11 = vector.load %arg4[%swap3A, %swap3A_10] : memref<4096x64xf32, #tpu.memory_space<vmem>>, vector<4096x64xf32>
    tpu.vector_store %arg4[%swap3A, %swap3A_10], %add3A_9 {strides = array<i32>} : memref<4096x64xf32, #tpu.memory_space<vmem>>, vector<4096x64xf32>,
    %reduce_sum3A = arith.constant dense<0.000000e+00> : vector<64xf32>
    %reduce_sum3A_12 = vector.multi_reduction <add>, %add3A_9, %reduce_sum3A [0] : vector<4096x64xf32> to vector<64xf32>
    %broadcast_in_dim3A = vector.shape_cast %reduce_sum3A_12 : vector<64xf32> to vector<1x64xf32>
    %broadcast_in_dim3A_13 = vector.shape_cast %broadcast_in_dim3A : vector<1x64xf32> to vector<1x64xf32>
    %broadcast_in_dim3A_14 = vector.broadcast %broadcast_in_dim3A_13 : vector<1x64xf32> to vector<8x64xf32>
    %swap3A_15 = arith.constant 0 : index
    %swap3A_16 = arith.constant 0 : index
    %swap3A_17 = vector.load %arg5[%swap3A_15, %swap3A_16] : memref<8x64xf32, #tpu.memory_space<vmem>>, vector<8x64xf32>
    tpu.vector_store %arg5[%swap3A_15, %swap3A_16], %broadcast_in_dim3A_14 {strides = array<i32>} : memref<8x64xf32, #tpu.memory_space<vmem>>, vector<8x64xf32>,
    %mul3A = arith.mulf %add3A_9, %add3A_9 : vector<4096x64xf32>
    %reduce_sum3A_18 = arith.constant dense<0.000000e+00> : vector<64xf32>
    %reduce_sum3A_19 = vector.multi_reduction <add>, %mul3A, %reduce_sum3A_18 [0] : vector<4096x64xf32> to vector<64xf32>
    %broadcast_in_dim3A_20 = vector.shape_cast %reduce_sum3A_19 : vector<64xf32> to vector<1x64xf32>
    %broadcast_in_dim3A_21 = vector.shape_cast %broadcast_in_dim3A_20 : vector<1x64xf32> to vector<1x64xf32>
    %broadcast_in_dim3A_22 = vector.broadcast %broadcast_in_dim3A_21 : vector<1x64xf32> to vector<8x64xf32>
    %swap3A_23 = arith.constant 0 : index
    %swap3A_24 = arith.constant 0 : index
    %swap3A_25 = vector.load %arg6[%swap3A_23, %swap3A_24] : memref<8x64xf32, #tpu.memory_space<vmem>>, vector<8x64xf32>
    tpu.vector_store %arg6[%swap3A_23, %swap3A_24], %broadcast_in_dim3A_22 {strides = array<i32>} : memref<8x64xf32, #tpu.memory_space<vmem>>, vector<8x64xf32>,
    return
  }
  func.func @transform_0(%arg0: i32) -> (i32, i32) {
    %c0_i32 = arith.constant 0 : i32
    %c0_i32_0 = arith.constant 0 : i32
    return %arg0, %c0_i32 : i32, i32
  }
  func.func @transform_1(%arg0: i32) -> (i32, i32) {
    %c0_i32 = arith.constant 0 : i32
    %c0_i32_0 = arith.constant 0 : i32
    %c0_i32_1 = arith.constant 0 : i32
    return %c0_i32, %c0_i32_0 : i32, i32
  }
  func.func @transform_2(%arg0: i32) -> (i32, i32) {
    %c0_i32 = arith.constant 0 : i32
    %c0_i32_0 = arith.constant 0 : i32
    %c0_i32_1 = arith.constant 0 : i32
    return %c0_i32, %c0_i32_0 : i32, i32
  }
  func.func @transform_3(%arg0: i32) -> (i32, i32) {
    %c0_i32 = arith.constant 0 : i32
    %c0_i32_0 = arith.constant 0 : i32
    return %arg0, %c0_i32 : i32, i32
  }
  func.func @transform_4(%arg0: i32) -> (i32, i32) {
    %c0_i32 = arith.constant 0 : i32
    %c0_i32_0 = arith.constant 0 : i32
    return %arg0, %c0_i32 : i32, i32
  }
  func.func @transform_5(%arg0: i32) -> (i32, i32) {
    %c0_i32 = arith.constant 0 : i32
    %c0_i32_0 = arith.constant 0 : i32
    return %arg0, %c0_i32 : i32, i32
  }
}

module attributes {stable_mosaic.version = 14 : i64} {
  func.func @_mm_act_kernel(%arg0: i32, %arg1: memref<4096x64xf32, #tpu.memory_space<vmem>>, %arg2: memref<96x64xf32, #tpu.memory_space<vmem>>, %arg3: memref<1x96xf32, #tpu.memory_space<vmem>>, %arg4: memref<1x64xf32, #tpu.memory_space<vmem>>, %arg5: memref<1x64xf32, #tpu.memory_space<vmem>>, %arg6: memref<4096x96xf32, #tpu.memory_space<vmem>>, %arg7: memref<8x96xf32, #tpu.memory_space<vmem>>, %arg8: memref<8x96xf32, #tpu.memory_space<vmem>>) attributes {dimension_semantics = [#tpu.dimension_semantics<arbitrary>], iteration_bounds = array<i64: 128>, scalar_prefetch = 0 : i64, scratch_operands = 0 : i64, tpu.core_type = #tpu.core_type<tc>, window_params = [{transform_indices = @transform_0, window_bounds = array<i64: 4096, 64>}, {pipeline_mode = #tpu.pipeline_mode<synchronous>, transform_indices = @transform_1, window_bounds = array<i64: 96, 64>}, {pipeline_mode = #tpu.pipeline_mode<synchronous>, transform_indices = @transform_2, window_bounds = array<i64: 1, 96>}, {pipeline_mode = #tpu.pipeline_mode<synchronous>, transform_indices = @transform_3, window_bounds = array<i64: 1, 64>}, {pipeline_mode = #tpu.pipeline_mode<synchronous>, transform_indices = @transform_4, window_bounds = array<i64: 1, 64>}, {transform_indices = @transform_5, window_bounds = array<i64: 4096, 96>}, {transform_indices = @transform_6, window_bounds = array<i64: 8, 96>}, {transform_indices = @transform_7, window_bounds = array<i64: 8, 96>}]} {
    %get3A = arith.constant 0 : index
    %get3A_0 = arith.constant 0 : index
    %get3A_1 = vector.load %arg1[%get3A, %get3A_0] : memref<4096x64xf32, #tpu.memory_space<vmem>>, vector<4096x64xf32>
    %get3A_2 = arith.constant 0 : index
    %get3A_3 = arith.constant 0 : index
    %get3A_4 = vector.load %arg4[%get3A_2, %get3A_3] : memref<1x64xf32, #tpu.memory_space<vmem>>, vector<1x64xf32>
    %mul3A = vector.broadcast %get3A_4 : vector<1x64xf32> to vector<4096x64xf32>
    %mul3A_5 = arith.mulf %get3A_1, %mul3A : vector<4096x64xf32>
    %get3A_6 = arith.constant 0 : index
    %get3A_7 = arith.constant 0 : index
    %get3A_8 = vector.load %arg5[%get3A_6, %get3A_7] : memref<1x64xf32, #tpu.memory_space<vmem>>, vector<1x64xf32>
    %add3A = vector.broadcast %get3A_8 : vector<1x64xf32> to vector<4096x64xf32>
    %add3A_9 = arith.addf %mul3A_5, %add3A : vector<4096x64xf32>
    %max3A = arith.constant 0.000000e+00 : f32
    %max3A_10 = vector.broadcast %max3A : f32 to vector<4096x64xf32>
    %max3A_11 = arith.maximumf %add3A_9, %max3A_10 : vector<4096x64xf32>
    %get3A_12 = arith.constant 0 : index
    %get3A_13 = arith.constant 0 : index
    %get3A_14 = vector.load %arg2[%get3A_12, %get3A_13] : memref<96x64xf32, #tpu.memory_space<vmem>>, vector<96x64xf32>
    %transpose3A = tpu.transpose %get3A_14, [1, 0] : vector<96x64xf32> -> vector<64x96xf32>
    %dot_general3A = arith.constant dense<0.000000e+00> : vector<4096x96xf32>
    %dot_general3A_15 = tpu.matmul %max3A_11, %transpose3A, %dot_general3A {dimension_numbers = #tpu.dot_dimension_numbers<[1], [0], [0], [1], [0, 0, 1, 1], [], []>, transpose_lhs_hint = false} : vector<4096x64xf32>, vector<64x96xf32>, vector<4096x96xf32> -> vector<4096x96xf32>
    %get3A_16 = arith.constant 0 : index
    %get3A_17 = arith.constant 0 : index
    %get3A_18 = vector.load %arg3[%get3A_16, %get3A_17] : memref<1x96xf32, #tpu.memory_space<vmem>>, vector<1x96xf32>
    %add3A_19 = vector.broadcast %get3A_18 : vector<1x96xf32> to vector<4096x96xf32>
    %add3A_20 = arith.addf %dot_general3A_15, %add3A_19 : vector<4096x96xf32>
    %swap3A = arith.constant 0 : index
    %swap3A_21 = arith.constant 0 : index
    %swap3A_22 = vector.load %arg6[%swap3A, %swap3A_21] : memref<4096x96xf32, #tpu.memory_space<vmem>>, vector<4096x96xf32>
    tpu.vector_store %arg6[%swap3A, %swap3A_21], %add3A_20 {strides = array<i32>} : memref<4096x96xf32, #tpu.memory_space<vmem>>, vector<4096x96xf32>,
    %reduce_sum3A = arith.constant dense<0.000000e+00> : vector<96xf32>
    %reduce_sum3A_23 = vector.multi_reduction <add>, %add3A_20, %reduce_sum3A [0] : vector<4096x96xf32> to vector<96xf32>
    %broadcast_in_dim3A = vector.shape_cast %reduce_sum3A_23 : vector<96xf32> to vector<1x96xf32>
    %broadcast_in_dim3A_24 = vector.shape_cast %broadcast_in_dim3A : vector<1x96xf32> to vector<1x96xf32>
    %broadcast_in_dim3A_25 = vector.broadcast %broadcast_in_dim3A_24 : vector<1x96xf32> to vector<8x96xf32>
    %swap3A_26 = arith.constant 0 : index
    %swap3A_27 = arith.constant 0 : index
    %swap3A_28 = vector.load %arg7[%swap3A_26, %swap3A_27] : memref<8x96xf32, #tpu.memory_space<vmem>>, vector<8x96xf32>
    tpu.vector_store %arg7[%swap3A_26, %swap3A_27], %broadcast_in_dim3A_25 {strides = array<i32>} : memref<8x96xf32, #tpu.memory_space<vmem>>, vector<8x96xf32>,
    %mul3A_29 = arith.mulf %add3A_20, %add3A_20 : vector<4096x96xf32>
    %reduce_sum3A_30 = arith.constant dense<0.000000e+00> : vector<96xf32>
    %reduce_sum3A_31 = vector.multi_reduction <add>, %mul3A_29, %reduce_sum3A_30 [0] : vector<4096x96xf32> to vector<96xf32>
    %broadcast_in_dim3A_32 = vector.shape_cast %reduce_sum3A_31 : vector<96xf32> to vector<1x96xf32>
    %broadcast_in_dim3A_33 = vector.shape_cast %broadcast_in_dim3A_32 : vector<1x96xf32> to vector<1x96xf32>
    %broadcast_in_dim3A_34 = vector.broadcast %broadcast_in_dim3A_33 : vector<1x96xf32> to vector<8x96xf32>
    %swap3A_35 = arith.constant 0 : index
    %swap3A_36 = arith.constant 0 : index
    %swap3A_37 = vector.load %arg8[%swap3A_35, %swap3A_36] : memref<8x96xf32, #tpu.memory_space<vmem>>, vector<8x96xf32>
    tpu.vector_store %arg8[%swap3A_35, %swap3A_36], %broadcast_in_dim3A_34 {strides = array<i32>} : memref<8x96xf32, #tpu.memory_space<vmem>>, vector<8x96xf32>,
    return
  }
  func.func @transform_0(%arg0: i32) -> (i32, i32) {
    %c0_i32 = arith.constant 0 : i32
    %c0_i32_0 = arith.constant 0 : i32
    return %arg0, %c0_i32 : i32, i32
  }
  func.func @transform_1(%arg0: i32) -> (i32, i32) {
    %c0_i32 = arith.constant 0 : i32
    %c0_i32_0 = arith.constant 0 : i32
    %c0_i32_1 = arith.constant 0 : i32
    return %c0_i32, %c0_i32_0 : i32, i32
  }
  func.func @transform_2(%arg0: i32) -> (i32, i32) {
    %c0_i32 = arith.constant 0 : i32
    %c0_i32_0 = arith.constant 0 : i32
    %c0_i32_1 = arith.constant 0 : i32
    return %c0_i32, %c0_i32_0 : i32, i32
  }
  func.func @transform_3(%arg0: i32) -> (i32, i32) {
    %c0_i32 = arith.constant 0 : i32
    %c0_i32_0 = arith.constant 0 : i32
    %c0_i32_1 = arith.constant 0 : i32
    return %c0_i32, %c0_i32_0 : i32, i32
  }
  func.func @transform_4(%arg0: i32) -> (i32, i32) {
    %c0_i32 = arith.constant 0 : i32
    %c0_i32_0 = arith.constant 0 : i32
    %c0_i32_1 = arith.constant 0 : i32
    return %c0_i32, %c0_i32_0 : i32, i32
  }
  func.func @transform_5(%arg0: i32) -> (i32, i32) {
    %c0_i32 = arith.constant 0 : i32
    %c0_i32_0 = arith.constant 0 : i32
    return %arg0, %c0_i32 : i32, i32
  }
  func.func @transform_6(%arg0: i32) -> (i32, i32) {
    %c0_i32 = arith.constant 0 : i32
    %c0_i32_0 = arith.constant 0 : i32
    return %arg0, %c0_i32 : i32, i32
  }
  func.func @transform_7(%arg0: i32) -> (i32, i32) {
    %c0_i32 = arith.constant 0 : i32
    %c0_i32_0 = arith.constant 0 : i32
    return %arg0, %c0_i32 : i32, i32
  }
}

module attributes {stable_mosaic.version = 14 : i64} {
  func.func @_mm_act_kernel(%arg0: i32, %arg1: memref<4096x96xf32, #tpu.memory_space<vmem>>, %arg2: memref<128x96xf32, #tpu.memory_space<vmem>>, %arg3: memref<1x128xf32, #tpu.memory_space<vmem>>, %arg4: memref<1x96xf32, #tpu.memory_space<vmem>>, %arg5: memref<1x96xf32, #tpu.memory_space<vmem>>, %arg6: memref<4096x128xf32, #tpu.memory_space<vmem>>, %arg7: memref<8x128xf32, #tpu.memory_space<vmem>>, %arg8: memref<8x128xf32, #tpu.memory_space<vmem>>) attributes {dimension_semantics = [#tpu.dimension_semantics<arbitrary>], iteration_bounds = array<i64: 128>, scalar_prefetch = 0 : i64, scratch_operands = 0 : i64, tpu.core_type = #tpu.core_type<tc>, window_params = [{transform_indices = @transform_0, window_bounds = array<i64: 4096, 96>}, {pipeline_mode = #tpu.pipeline_mode<synchronous>, transform_indices = @transform_1, window_bounds = array<i64: 128, 96>}, {pipeline_mode = #tpu.pipeline_mode<synchronous>, transform_indices = @transform_2, window_bounds = array<i64: 1, 128>}, {pipeline_mode = #tpu.pipeline_mode<synchronous>, transform_indices = @transform_3, window_bounds = array<i64: 1, 96>}, {pipeline_mode = #tpu.pipeline_mode<synchronous>, transform_indices = @transform_4, window_bounds = array<i64: 1, 96>}, {transform_indices = @transform_5, window_bounds = array<i64: 4096, 128>}, {transform_indices = @transform_6, window_bounds = array<i64: 8, 128>}, {transform_indices = @transform_7, window_bounds = array<i64: 8, 128>}]} {
    %get3A = arith.constant 0 : index
    %get3A_0 = arith.constant 0 : index
    %get3A_1 = vector.load %arg1[%get3A, %get3A_0] : memref<4096x96xf32, #tpu.memory_space<vmem>>, vector<4096x96xf32>
    %get3A_2 = arith.constant 0 : index
    %get3A_3 = arith.constant 0 : index
    %get3A_4 = vector.load %arg4[%get3A_2, %get3A_3] : memref<1x96xf32, #tpu.memory_space<vmem>>, vector<1x96xf32>
    %mul3A = vector.broadcast %get3A_4 : vector<1x96xf32> to vector<4096x96xf32>
    %mul3A_5 = arith.mulf %get3A_1, %mul3A : vector<4096x96xf32>
    %get3A_6 = arith.constant 0 : index
    %get3A_7 = arith.constant 0 : index
    %get3A_8 = vector.load %arg5[%get3A_6, %get3A_7] : memref<1x96xf32, #tpu.memory_space<vmem>>, vector<1x96xf32>
    %add3A = vector.broadcast %get3A_8 : vector<1x96xf32> to vector<4096x96xf32>
    %add3A_9 = arith.addf %mul3A_5, %add3A : vector<4096x96xf32>
    %max3A = arith.constant 0.000000e+00 : f32
    %max3A_10 = vector.broadcast %max3A : f32 to vector<4096x96xf32>
    %max3A_11 = arith.maximumf %add3A_9, %max3A_10 : vector<4096x96xf32>
    %get3A_12 = arith.constant 0 : index
    %get3A_13 = arith.constant 0 : index
    %get3A_14 = vector.load %arg2[%get3A_12, %get3A_13] : memref<128x96xf32, #tpu.memory_space<vmem>>, vector<128x96xf32>
    %transpose3A = tpu.transpose %get3A_14, [1, 0] : vector<128x96xf32> -> vector<96x128xf32>
    %dot_general3A = arith.constant dense<0.000000e+00> : vector<4096x128xf32>
    %dot_general3A_15 = tpu.matmul %max3A_11, %transpose3A, %dot_general3A {dimension_numbers = #tpu.dot_dimension_numbers<[1], [0], [0], [1], [0, 0, 1, 1], [], []>, transpose_lhs_hint = false} : vector<4096x96xf32>, vector<96x128xf32>, vector<4096x128xf32> -> vector<4096x128xf32>
    %get3A_16 = arith.constant 0 : index
    %get3A_17 = arith.constant 0 : index
    %get3A_18 = vector.load %arg3[%get3A_16, %get3A_17] : memref<1x128xf32, #tpu.memory_space<vmem>>, vector<1x128xf32>
    %add3A_19 = vector.broadcast %get3A_18 : vector<1x128xf32> to vector<4096x128xf32>
    %add3A_20 = arith.addf %dot_general3A_15, %add3A_19 : vector<4096x128xf32>
    %swap3A = arith.constant 0 : index
    %swap3A_21 = arith.constant 0 : index
    %swap3A_22 = vector.load %arg6[%swap3A, %swap3A_21] : memref<4096x128xf32, #tpu.memory_space<vmem>>, vector<4096x128xf32>
    tpu.vector_store %arg6[%swap3A, %swap3A_21], %add3A_20 {strides = array<i32>} : memref<4096x128xf32, #tpu.memory_space<vmem>>, vector<4096x128xf32>,
    %reduce_sum3A = arith.constant dense<0.000000e+00> : vector<128xf32>
    %reduce_sum3A_23 = vector.multi_reduction <add>, %add3A_20, %reduce_sum3A [0] : vector<4096x128xf32> to vector<128xf32>
    %broadcast_in_dim3A = vector.shape_cast %reduce_sum3A_23 : vector<128xf32> to vector<1x128xf32>
    %broadcast_in_dim3A_24 = vector.shape_cast %broadcast_in_dim3A : vector<1x128xf32> to vector<1x128xf32>
    %broadcast_in_dim3A_25 = vector.broadcast %broadcast_in_dim3A_24 : vector<1x128xf32> to vector<8x128xf32>
    %swap3A_26 = arith.constant 0 : index
    %swap3A_27 = arith.constant 0 : index
    %swap3A_28 = vector.load %arg7[%swap3A_26, %swap3A_27] : memref<8x128xf32, #tpu.memory_space<vmem>>, vector<8x128xf32>
    tpu.vector_store %arg7[%swap3A_26, %swap3A_27], %broadcast_in_dim3A_25 {strides = array<i32>} : memref<8x128xf32, #tpu.memory_space<vmem>>, vector<8x128xf32>,
    %mul3A_29 = arith.mulf %add3A_20, %add3A_20 : vector<4096x128xf32>
    %reduce_sum3A_30 = arith.constant dense<0.000000e+00> : vector<128xf32>
    %reduce_sum3A_31 = vector.multi_reduction <add>, %mul3A_29, %reduce_sum3A_30 [0] : vector<4096x128xf32> to vector<128xf32>
    %broadcast_in_dim3A_32 = vector.shape_cast %reduce_sum3A_31 : vector<128xf32> to vector<1x128xf32>
    %broadcast_in_dim3A_33 = vector.shape_cast %broadcast_in_dim3A_32 : vector<1x128xf32> to vector<1x128xf32>
    %broadcast_in_dim3A_34 = vector.broadcast %broadcast_in_dim3A_33 : vector<1x128xf32> to vector<8x128xf32>
    %swap3A_35 = arith.constant 0 : index
    %swap3A_36 = arith.constant 0 : index
    %swap3A_37 = vector.load %arg8[%swap3A_35, %swap3A_36] : memref<8x128xf32, #tpu.memory_space<vmem>>, vector<8x128xf32>
    tpu.vector_store %arg8[%swap3A_35, %swap3A_36], %broadcast_in_dim3A_34 {strides = array<i32>} : memref<8x128xf32, #tpu.memory_space<vmem>>, vector<8x128xf32>,
    return
  }
  func.func @transform_0(%arg0: i32) -> (i32, i32) {
    %c0_i32 = arith.constant 0 : i32
    %c0_i32_0 = arith.constant 0 : i32
    return %arg0, %c0_i32 : i32, i32
  }
  func.func @transform_1(%arg0: i32) -> (i32, i32) {
    %c0_i32 = arith.constant 0 : i32
    %c0_i32_0 = arith.constant 0 : i32
    %c0_i32_1 = arith.constant 0 : i32
    return %c0_i32, %c0_i32_0 : i32, i32
  }
  func.func @transform_2(%arg0: i32) -> (i32, i32) {
    %c0_i32 = arith.constant 0 : i32
    %c0_i32_0 = arith.constant 0 : i32
    %c0_i32_1 = arith.constant 0 : i32
    return %c0_i32, %c0_i32_0 : i32, i32
  }
  func.func @transform_3(%arg0: i32) -> (i32, i32) {
    %c0_i32 = arith.constant 0 : i32
    %c0_i32_0 = arith.constant 0 : i32
    %c0_i32_1 = arith.constant 0 : i32
    return %c0_i32, %c0_i32_0 : i32, i32
  }
  func.func @transform_4(%arg0: i32) -> (i32, i32) {
    %c0_i32 = arith.constant 0 : i32
    %c0_i32_0 = arith.constant 0 : i32
    %c0_i32_1 = arith.constant 0 : i32
    return %c0_i32, %c0_i32_0 : i32, i32
  }
  func.func @transform_5(%arg0: i32) -> (i32, i32) {
    %c0_i32 = arith.constant 0 : i32
    %c0_i32_0 = arith.constant 0 : i32
    return %arg0, %c0_i32 : i32, i32
  }
  func.func @transform_6(%arg0: i32) -> (i32, i32) {
    %c0_i32 = arith.constant 0 : i32
    %c0_i32_0 = arith.constant 0 : i32
    return %arg0, %c0_i32 : i32, i32
  }
  func.func @transform_7(%arg0: i32) -> (i32, i32) {
    %c0_i32 = arith.constant 0 : i32
    %c0_i32_0 = arith.constant 0 : i32
    return %arg0, %c0_i32 : i32, i32
  }
}

module attributes {stable_mosaic.version = 14 : i64} {
  func.func @_fps_kernel(%arg0: memref<8x3x512xf32, #tpu.memory_space<vmem>>, %arg1: memref<8x128xi32, #tpu.memory_space<vmem>>) attributes {dimension_semantics = [], scalar_prefetch = 0 : i64, scratch_operands = 0 : i64, tpu.core_type = #tpu.core_type<tc>} {
    %get3A = arith.constant 0 : index
    %get3A_0 = arith.constant 0 : index
    %get3A_1 = arith.constant 0 : index
    %get3A_2 = vector.load %arg0[%get3A, %get3A_0, %get3A_1] : memref<8x3x512xf32, #tpu.memory_space<vmem>>, vector<8x3x512xf32>
    %iota3A = tpu.iota {dimensions = array<i32: 2>} : vector<1x1x512xi32>
    %iota3A_3 = tpu.iota {dimensions = array<i32: 2>} : vector<1x1x128xi32>
    %broadcast_in_dim3A = arith.constant 0 : i32
    %broadcast_in_dim3A_4 = vector.broadcast %broadcast_in_dim3A : i32 to vector<8x1x128xi32>
    %broadcast_in_dim3A_5 = arith.constant 1.000000e+10 : f32
    %broadcast_in_dim3A_6 = vector.broadcast %broadcast_in_dim3A_5 : f32 to vector<8x1x512xf32>
    %broadcast_in_dim3A_7 = arith.constant 0 : i32
    %broadcast_in_dim3A_8 = vector.broadcast %broadcast_in_dim3A_7 : i32 to vector<8x1x1xi32>
    %scan3A = arith.constant 0 : i32
    %scan3A_9 = arith.constant 128 : i32
    %scan3A_10 = arith.addi %scan3A, %scan3A_9 : i32
    %scan3A_11 = arith.constant 1 : i32
    %scan3A_12:3 = scf.for %scan3A_16 = %scan3A to %scan3A_10 step %scan3A_11 iter_args(%scan3A_17 = %broadcast_in_dim3A_4, %scan3A_18 = %broadcast_in_dim3A_6, %scan3A_19 = %broadcast_in_dim3A_8) -> (vector<8x1x128xi32>, vector<8x1x512xf32>, vector<8x1x1xi32>)  : i32 {
      %eq3A = vector.broadcast %scan3A_16 : i32 to vector<1x1x128xi32>
      %eq3A_20 = arith.cmpi eq, %iota3A_3, %eq3A : vector<1x1x128xi32>
      %broadcast_in_dim3A_21 = vector.shape_cast %eq3A_20 : vector<1x1x128xi1> to vector<1x1x128xi1>
      %broadcast_in_dim3A_22 = vector.broadcast %broadcast_in_dim3A_21 : vector<1x1x128xi1> to vector<8x1x128xi1>
      %broadcast_in_dim3A_23 = vector.shape_cast %scan3A_19 : vector<8x1x1xi32> to vector<8x1x1xi32>
      %broadcast_in_dim3A_24 = vector.broadcast %broadcast_in_dim3A_23 : vector<8x1x1xi32> to vector<8x1x128xi32>
      %select_n3A = arith.select %broadcast_in_dim3A_22, %broadcast_in_dim3A_24, %scan3A_17 : vector<8x1x128xi1>, vector<8x1x128xi32>
      %eq3A_25 = vector.broadcast %iota3A : vector<1x1x512xi32> to vector<8x1x512xi32>
      %eq3A_26 = vector.broadcast %scan3A_19 : vector<8x1x1xi32> to vector<8x1x512xi32>
      %eq3A_27 = arith.cmpi eq, %eq3A_25, %eq3A_26 : vector<8x1x512xi32>
      %jit3A = arith.constant 0.000000e+00 : f32
      %broadcast_in_dim3A_28 = vector.shape_cast %eq3A_27 : vector<8x1x512xi1> to vector<8x1x512xi1>
      %broadcast_in_dim3A_29 = vector.broadcast %broadcast_in_dim3A_28 : vector<8x1x512xi1> to vector<8x3x512xi1>
      %broadcast_in_dim3A_30 = vector.broadcast %jit3A : f32 to vector<8x3x512xf32>
      %select_n3A_31 = arith.select %broadcast_in_dim3A_29, %get3A_2, %broadcast_in_dim3A_30 : vector<8x3x512xi1>, vector<8x3x512xf32>
      %reduce_sum3A = arith.constant dense<0.000000e+00> : vector<8x3xf32>
      %reduce_sum3A_32 = vector.multi_reduction <add>, %select_n3A_31, %reduce_sum3A [2] : vector<8x3x512xf32> to vector<8x3xf32>
      %broadcast_in_dim3A_33 = vector.shape_cast %reduce_sum3A_32 : vector<8x3xf32> to vector<8x3x1xf32>
      %sub3A = vector.broadcast %broadcast_in_dim3A_33 : vector<8x3x1xf32> to vector<8x3x512xf32>
      %sub3A_34 = arith.subf %get3A_2, %sub3A : vector<8x3x512xf32>
      %integer_pow3A = arith.mulf %sub3A_34, %sub3A_34 : vector<8x3x512xf32>
      %reduce_sum3A_35 = arith.constant dense<0.000000e+00> : vector<8x512xf32>
      %reduce_sum3A_36 = vector.multi_reduction <add>, %integer_pow3A, %reduce_sum3A_35 [1] : vector<8x3x512xf32> to vector<8x512xf32>
      %broadcast_in_dim3A_37 = vector.shape_cast %reduce_sum3A_36 : vector<8x512xf32> to vector<8x1x512xf32>
      %min3A = arith.minimumf %scan3A_18, %broadcast_in_dim3A_37 : vector<8x1x512xf32>
      %reduce_max3A = arith.constant dense<0xFF800000> : vector<8x1xf32>
      %reduce_max3A_38 = vector.multi_reduction <maximumf>, %min3A, %reduce_max3A [2] : vector<8x1x512xf32> to vector<8x1xf32>
      %broadcast_in_dim3A_39 = vector.shape_cast %reduce_max3A_38 : vector<8x1xf32> to vector<8x1x1xf32>
      %eq3A_40 = vector.broadcast %broadcast_in_dim3A_39 : vector<8x1x1xf32> to vector<8x1x512xf32>
      %eq3A_41 = arith.cmpf oeq, %min3A, %eq3A_40 : vector<8x1x512xf32>
      %jit3A_42 = arith.constant 512 : i32
      %broadcast_in_dim3A_43 = vector.shape_cast %iota3A : vector<1x1x512xi32> to vector<1x1x512xi32>
      %broadcast_in_dim3A_44 = vector.broadcast %broadcast_in_dim3A_43 : vector<1x1x512xi32> to vector<8x1x512xi32>
      %broadcast_in_dim3A_45 = vector.broadcast %jit3A_42 : i32 to vector<8x1x512xi32>
      %select_n3A_46 = arith.select %eq3A_41, %broadcast_in_dim3A_44, %broadcast_in_dim3A_45 : vector<8x1x512xi1>, vector<8x1x512xi32>
      %reduce_min3A = arith.constant dense<2147483647> : vector<8x1xi32>
      %reduce_min3A_47 = vector.multi_reduction <minsi>, %select_n3A_46, %reduce_min3A [2] : vector<8x1x512xi32> to vector<8x1xi32>
      %broadcast_in_dim3A_48 = vector.shape_cast %reduce_min3A_47 : vector<8x1xi32> to vector<8x1x1xi32>
      scf.yield %select_n3A, %min3A, %broadcast_in_dim3A_48 : vector<8x1x128xi32>, vector<8x1x512xf32>, vector<8x1x1xi32>
    }
    %scan3A_13 = arith.constant 128 : i32
    %reshape3A = vector.shape_cast %scan3A_12#0 : vector<8x1x128xi32> to vector<8x128xi32>
    %swap3A = arith.constant 0 : index
    %swap3A_14 = arith.constant 0 : index
    %swap3A_15 = vector.load %arg1[%swap3A, %swap3A_14] : memref<8x128xi32, #tpu.memory_space<vmem>>, vector<8x128xi32>
    tpu.vector_store %arg1[%swap3A, %swap3A_14], %reshape3A {strides = array<i32>} : memref<8x128xi32, #tpu.memory_space<vmem>>, vector<8x128xi32>,
    return
  }
}

module attributes {stable_mosaic.version = 14 : i64} {
  func.func @_arm_kernel(%arg0: i32, %arg1: memref<1024x16x64xf32, #tpu.memory_space<vmem>>, %arg2: memref<1x1x64xf32, #tpu.memory_space<vmem>>, %arg3: memref<1x1x64xf32, #tpu.memory_space<vmem>>, %arg4: memref<1024x64xf32, #tpu.memory_space<vmem>>) attributes {dimension_semantics = [#tpu.dimension_semantics<arbitrary>], iteration_bounds = array<i64: 4>, scalar_prefetch = 0 : i64, scratch_operands = 0 : i64, tpu.core_type = #tpu.core_type<tc>, window_params = [{transform_indices = @transform_0, window_bounds = array<i64: 1024, 16, 64>}, {pipeline_mode = #tpu.pipeline_mode<synchronous>, transform_indices = @transform_1, window_bounds = array<i64: 1, 1, 64>}, {pipeline_mode = #tpu.pipeline_mode<synchronous>, transform_indices = @transform_2, window_bounds = array<i64: 1, 1, 64>}, {transform_indices = @transform_3, window_bounds = array<i64: 1024, 64>}]} {
    %get3A = arith.constant 0 : index
    %get3A_0 = arith.constant 0 : index
    %get3A_1 = arith.constant 0 : index
    %get3A_2 = vector.load %arg1[%get3A, %get3A_0, %get3A_1] : memref<1024x16x64xf32, #tpu.memory_space<vmem>>, vector<1024x16x64xf32>
    %get3A_3 = arith.constant 0 : index
    %get3A_4 = arith.constant 0 : index
    %get3A_5 = arith.constant 0 : index
    %get3A_6 = vector.load %arg2[%get3A_3, %get3A_4, %get3A_5] : memref<1x1x64xf32, #tpu.memory_space<vmem>>, vector<1x1x64xf32>
    %mul3A = vector.broadcast %get3A_6 : vector<1x1x64xf32> to vector<1024x16x64xf32>
    %mul3A_7 = arith.mulf %get3A_2, %mul3A : vector<1024x16x64xf32>
    %get3A_8 = arith.constant 0 : index
    %get3A_9 = arith.constant 0 : index
    %get3A_10 = arith.constant 0 : index
    %get3A_11 = vector.load %arg3[%get3A_8, %get3A_9, %get3A_10] : memref<1x1x64xf32, #tpu.memory_space<vmem>>, vector<1x1x64xf32>
    %add3A = vector.broadcast %get3A_11 : vector<1x1x64xf32> to vector<1024x16x64xf32>
    %add3A_12 = arith.addf %mul3A_7, %add3A : vector<1024x16x64xf32>
    %max3A = arith.constant 0.000000e+00 : f32
    %max3A_13 = vector.broadcast %max3A : f32 to vector<1024x16x64xf32>
    %max3A_14 = arith.maximumf %add3A_12, %max3A_13 : vector<1024x16x64xf32>
    %reduce_max3A = arith.constant dense<0xFF800000> : vector<1024x64xf32>
    %reduce_max3A_15 = vector.multi_reduction <maximumf>, %max3A_14, %reduce_max3A [1] : vector<1024x16x64xf32> to vector<1024x64xf32>
    %swap3A = arith.constant 0 : index
    %swap3A_16 = arith.constant 0 : index
    %swap3A_17 = vector.load %arg4[%swap3A, %swap3A_16] : memref<1024x64xf32, #tpu.memory_space<vmem>>, vector<1024x64xf32>
    tpu.vector_store %arg4[%swap3A, %swap3A_16], %reduce_max3A_15 {strides = array<i32>} : memref<1024x64xf32, #tpu.memory_space<vmem>>, vector<1024x64xf32>,
    return
  }
  func.func @transform_0(%arg0: i32) -> (i32, i32, i32) {
    %c0_i32 = arith.constant 0 : i32
    %c0_i32_0 = arith.constant 0 : i32
    %c0_i32_1 = arith.constant 0 : i32
    return %arg0, %c0_i32, %c0_i32_0 : i32, i32, i32
  }
  func.func @transform_1(%arg0: i32) -> (i32, i32, i32) {
    %c0_i32 = arith.constant 0 : i32
    %c0_i32_0 = arith.constant 0 : i32
    %c0_i32_1 = arith.constant 0 : i32
    %c0_i32_2 = arith.constant 0 : i32
    return %c0_i32, %c0_i32_0, %c0_i32_1 : i32, i32, i32
  }
  func.func @transform_2(%arg0: i32) -> (i32, i32, i32) {
    %c0_i32 = arith.constant 0 : i32
    %c0_i32_0 = arith.constant 0 : i32
    %c0_i32_1 = arith.constant 0 : i32
    %c0_i32_2 = arith.constant 0 : i32
    return %c0_i32, %c0_i32_0, %c0_i32_1 : i32, i32, i32
  }
  func.func @transform_3(%arg0: i32) -> (i32, i32) {
    %c0_i32 = arith.constant 0 : i32
    %c0_i32_0 = arith.constant 0 : i32
    return %arg0, %c0_i32 : i32, i32
  }
}

module attributes {stable_mosaic.version = 14 : i64} {
  func.func @_arm_kernel(%arg0: i32, %arg1: memref<256x32x128xf32, #tpu.memory_space<vmem>>, %arg2: memref<1x1x128xf32, #tpu.memory_space<vmem>>, %arg3: memref<1x1x128xf32, #tpu.memory_space<vmem>>, %arg4: memref<256x128xf32, #tpu.memory_space<vmem>>) attributes {dimension_semantics = [#tpu.dimension_semantics<arbitrary>], iteration_bounds = array<i64: 16>, scalar_prefetch = 0 : i64, scratch_operands = 0 : i64, tpu.core_type = #tpu.core_type<tc>, window_params = [{transform_indices = @transform_0, window_bounds = array<i64: 256, 32, 128>}, {pipeline_mode = #tpu.pipeline_mode<synchronous>, transform_indices = @transform_1, window_bounds = array<i64: 1, 1, 128>}, {pipeline_mode = #tpu.pipeline_mode<synchronous>, transform_indices = @transform_2, window_bounds = array<i64: 1, 1, 128>}, {transform_indices = @transform_3, window_bounds = array<i64: 256, 128>}]} {
    %get3A = arith.constant 0 : index
    %get3A_0 = arith.constant 0 : index
    %get3A_1 = arith.constant 0 : index
    %get3A_2 = vector.load %arg1[%get3A, %get3A_0, %get3A_1] : memref<256x32x128xf32, #tpu.memory_space<vmem>>, vector<256x32x128xf32>
    %get3A_3 = arith.constant 0 : index
    %get3A_4 = arith.constant 0 : index
    %get3A_5 = arith.constant 0 : index
    %get3A_6 = vector.load %arg2[%get3A_3, %get3A_4, %get3A_5] : memref<1x1x128xf32, #tpu.memory_space<vmem>>, vector<1x1x128xf32>
    %mul3A = vector.broadcast %get3A_6 : vector<1x1x128xf32> to vector<256x32x128xf32>
    %mul3A_7 = arith.mulf %get3A_2, %mul3A : vector<256x32x128xf32>
    %get3A_8 = arith.constant 0 : index
    %get3A_9 = arith.constant 0 : index
    %get3A_10 = arith.constant 0 : index
    %get3A_11 = vector.load %arg3[%get3A_8, %get3A_9, %get3A_10] : memref<1x1x128xf32, #tpu.memory_space<vmem>>, vector<1x1x128xf32>
    %add3A = vector.broadcast %get3A_11 : vector<1x1x128xf32> to vector<256x32x128xf32>
    %add3A_12 = arith.addf %mul3A_7, %add3A : vector<256x32x128xf32>
    %max3A = arith.constant 0.000000e+00 : f32
    %max3A_13 = vector.broadcast %max3A : f32 to vector<256x32x128xf32>
    %max3A_14 = arith.maximumf %add3A_12, %max3A_13 : vector<256x32x128xf32>
    %reduce_max3A = arith.constant dense<0xFF800000> : vector<256x128xf32>
    %reduce_max3A_15 = vector.multi_reduction <maximumf>, %max3A_14, %reduce_max3A [1] : vector<256x32x128xf32> to vector<256x128xf32>
    %swap3A = arith.constant 0 : index
    %swap3A_16 = arith.constant 0 : index
    %swap3A_17 = vector.load %arg4[%swap3A, %swap3A_16] : memref<256x128xf32, #tpu.memory_space<vmem>>, vector<256x128xf32>
    tpu.vector_store %arg4[%swap3A, %swap3A_16], %reduce_max3A_15 {strides = array<i32>} : memref<256x128xf32, #tpu.memory_space<vmem>>, vector<256x128xf32>,
    return
  }
  func.func @transform_0(%arg0: i32) -> (i32, i32, i32) {
    %c0_i32 = arith.constant 0 : i32
    %c0_i32_0 = arith.constant 0 : i32
    %c0_i32_1 = arith.constant 0 : i32
    return %arg0, %c0_i32, %c0_i32_0 : i32, i32, i32
  }
  func.func @transform_1(%arg0: i32) -> (i32, i32, i32) {
    %c0_i32 = arith.constant 0 : i32
    %c0_i32_0 = arith.constant 0 : i32
    %c0_i32_1 = arith.constant 0 : i32
    %c0_i32_2 = arith.constant 0 : i32
    return %c0_i32, %c0_i32_0, %c0_i32_1 : i32, i32, i32
  }
  func.func @transform_2(%arg0: i32) -> (i32, i32, i32) {
    %c0_i32 = arith.constant 0 : i32
    %c0_i32_0 = arith.constant 0 : i32
    %c0_i32_1 = arith.constant 0 : i32
    %c0_i32_2 = arith.constant 0 : i32
    return %c0_i32, %c0_i32_0, %c0_i32_1 : i32, i32, i32
  }
  func.func @transform_3(%arg0: i32) -> (i32, i32) {
    %c0_i32 = arith.constant 0 : i32
    %c0_i32_0 = arith.constant 0 : i32
    return %arg0, %c0_i32 : i32, i32
  }
}

module attributes {stable_mosaic.version = 14 : i64} {
  func.func @_arm_kernel(%arg0: i32, %arg1: memref<64x128x128xf32, #tpu.memory_space<vmem>>, %arg2: memref<1x1x128xf32, #tpu.memory_space<vmem>>, %arg3: memref<1x1x128xf32, #tpu.memory_space<vmem>>, %arg4: memref<64x128xf32, #tpu.memory_space<vmem>>) attributes {dimension_semantics = [#tpu.dimension_semantics<arbitrary>], iteration_bounds = array<i64: 64>, scalar_prefetch = 0 : i64, scratch_operands = 0 : i64, tpu.core_type = #tpu.core_type<tc>, window_params = [{transform_indices = @transform_0, window_bounds = array<i64: 64, 128, 128>}, {pipeline_mode = #tpu.pipeline_mode<synchronous>, transform_indices = @transform_1, window_bounds = array<i64: 1, 1, 128>}, {pipeline_mode = #tpu.pipeline_mode<synchronous>, transform_indices = @transform_2, window_bounds = array<i64: 1, 1, 128>}, {transform_indices = @transform_3, window_bounds = array<i64: 64, 128>}]} {
    %get3A = arith.constant 0 : index
    %get3A_0 = arith.constant 0 : index
    %get3A_1 = arith.constant 0 : index
    %get3A_2 = vector.load %arg1[%get3A, %get3A_0, %get3A_1] : memref<64x128x128xf32, #tpu.memory_space<vmem>>, vector<64x128x128xf32>
    %get3A_3 = arith.constant 0 : index
    %get3A_4 = arith.constant 0 : index
    %get3A_5 = arith.constant 0 : index
    %get3A_6 = vector.load %arg2[%get3A_3, %get3A_4, %get3A_5] : memref<1x1x128xf32, #tpu.memory_space<vmem>>, vector<1x1x128xf32>
    %mul3A = vector.broadcast %get3A_6 : vector<1x1x128xf32> to vector<64x128x128xf32>
    %mul3A_7 = arith.mulf %get3A_2, %mul3A : vector<64x128x128xf32>
    %get3A_8 = arith.constant 0 : index
    %get3A_9 = arith.constant 0 : index
    %get3A_10 = arith.constant 0 : index
    %get3A_11 = vector.load %arg3[%get3A_8, %get3A_9, %get3A_10] : memref<1x1x128xf32, #tpu.memory_space<vmem>>, vector<1x1x128xf32>
    %add3A = vector.broadcast %get3A_11 : vector<1x1x128xf32> to vector<64x128x128xf32>
    %add3A_12 = arith.addf %mul3A_7, %add3A : vector<64x128x128xf32>
    %max3A = arith.constant 0.000000e+00 : f32
    %max3A_13 = vector.broadcast %max3A : f32 to vector<64x128x128xf32>
    %max3A_14 = arith.maximumf %add3A_12, %max3A_13 : vector<64x128x128xf32>
    %reduce_max3A = arith.constant dense<0xFF800000> : vector<64x128xf32>
    %reduce_max3A_15 = vector.multi_reduction <maximumf>, %max3A_14, %reduce_max3A [1] : vector<64x128x128xf32> to vector<64x128xf32>
    %swap3A = arith.constant 0 : index
    %swap3A_16 = arith.constant 0 : index
    %swap3A_17 = vector.load %arg4[%swap3A, %swap3A_16] : memref<64x128xf32, #tpu.memory_space<vmem>>, vector<64x128xf32>
    tpu.vector_store %arg4[%swap3A, %swap3A_16], %reduce_max3A_15 {strides = array<i32>} : memref<64x128xf32, #tpu.memory_space<vmem>>, vector<64x128xf32>,
    return
  }
  func.func @transform_0(%arg0: i32) -> (i32, i32, i32) {
    %c0_i32 = arith.constant 0 : i32
    %c0_i32_0 = arith.constant 0 : i32
    %c0_i32_1 = arith.constant 0 : i32
    return %arg0, %c0_i32, %c0_i32_0 : i32, i32, i32
  }
  func.func @transform_1(%arg0: i32) -> (i32, i32, i32) {
    %c0_i32 = arith.constant 0 : i32
    %c0_i32_0 = arith.constant 0 : i32
    %c0_i32_1 = arith.constant 0 : i32
    %c0_i32_2 = arith.constant 0 : i32
    return %c0_i32, %c0_i32_0, %c0_i32_1 : i32, i32, i32
  }
  func.func @transform_2(%arg0: i32) -> (i32, i32, i32) {
    %c0_i32 = arith.constant 0 : i32
    %c0_i32_0 = arith.constant 0 : i32
    %c0_i32_1 = arith.constant 0 : i32
    %c0_i32_2 = arith.constant 0 : i32
    return %c0_i32, %c0_i32_0, %c0_i32_1 : i32, i32, i32
  }
  func.func @transform_3(%arg0: i32) -> (i32, i32) {
    %c0_i32 = arith.constant 0 : i32
    %c0_i32_0 = arith.constant 0 : i32
    return %arg0, %c0_i32 : i32, i32
  }
}

module attributes {stable_mosaic.version = 14 : i64} {
  func.func @_mm_kernel(%arg0: i32, %arg1: memref<4096x323xf32, #tpu.memory_space<vmem>>, %arg2: memref<64x323xf32, #tpu.memory_space<vmem>>, %arg3: memref<1x64xf32, #tpu.memory_space<vmem>>, %arg4: memref<4096x64xf32, #tpu.memory_space<vmem>>, %arg5: memref<8x64xf32, #tpu.memory_space<vmem>>, %arg6: memref<8x64xf32, #tpu.memory_space<vmem>>) attributes {dimension_semantics = [#tpu.dimension_semantics<arbitrary>], iteration_bounds = array<i64: 8>, scalar_prefetch = 0 : i64, scratch_operands = 0 : i64, tpu.core_type = #tpu.core_type<tc>, window_params = [{transform_indices = @transform_0, window_bounds = array<i64: 4096, 323>}, {pipeline_mode = #tpu.pipeline_mode<synchronous>, transform_indices = @transform_1, window_bounds = array<i64: 64, 323>}, {pipeline_mode = #tpu.pipeline_mode<synchronous>, transform_indices = @transform_2, window_bounds = array<i64: 1, 64>}, {transform_indices = @transform_3, window_bounds = array<i64: 4096, 64>}, {transform_indices = @transform_4, window_bounds = array<i64: 8, 64>}, {transform_indices = @transform_5, window_bounds = array<i64: 8, 64>}]} {
    %get3A = arith.constant 0 : index
    %get3A_0 = arith.constant 0 : index
    %get3A_1 = vector.load %arg1[%get3A, %get3A_0] : memref<4096x323xf32, #tpu.memory_space<vmem>>, vector<4096x323xf32>
    %get3A_2 = arith.constant 0 : index
    %get3A_3 = arith.constant 0 : index
    %get3A_4 = vector.load %arg2[%get3A_2, %get3A_3] : memref<64x323xf32, #tpu.memory_space<vmem>>, vector<64x323xf32>
    %transpose3A = tpu.transpose %get3A_4, [1, 0] : vector<64x323xf32> -> vector<323x64xf32>
    %dot_general3A = arith.constant dense<0.000000e+00> : vector<4096x64xf32>
    %dot_general3A_5 = tpu.matmul %get3A_1, %transpose3A, %dot_general3A {dimension_numbers = #tpu.dot_dimension_numbers<[1], [0], [0], [1], [0, 0, 1, 1], [], []>, transpose_lhs_hint = false} : vector<4096x323xf32>, vector<323x64xf32>, vector<4096x64xf32> -> vector<4096x64xf32>
    %get3A_6 = arith.constant 0 : index
    %get3A_7 = arith.constant 0 : index
    %get3A_8 = vector.load %arg3[%get3A_6, %get3A_7] : memref<1x64xf32, #tpu.memory_space<vmem>>, vector<1x64xf32>
    %add3A = vector.broadcast %get3A_8 : vector<1x64xf32> to vector<4096x64xf32>
    %add3A_9 = arith.addf %dot_general3A_5, %add3A : vector<4096x64xf32>
    %swap3A = arith.constant 0 : index
    %swap3A_10 = arith.constant 0 : index
    %swap3A_11 = vector.load %arg4[%swap3A, %swap3A_10] : memref<4096x64xf32, #tpu.memory_space<vmem>>, vector<4096x64xf32>
    tpu.vector_store %arg4[%swap3A, %swap3A_10], %add3A_9 {strides = array<i32>} : memref<4096x64xf32, #tpu.memory_space<vmem>>, vector<4096x64xf32>,
    %reduce_sum3A = arith.constant dense<0.000000e+00> : vector<64xf32>
    %reduce_sum3A_12 = vector.multi_reduction <add>, %add3A_9, %reduce_sum3A [0] : vector<4096x64xf32> to vector<64xf32>
    %broadcast_in_dim3A = vector.shape_cast %reduce_sum3A_12 : vector<64xf32> to vector<1x64xf32>
    %broadcast_in_dim3A_13 = vector.shape_cast %broadcast_in_dim3A : vector<1x64xf32> to vector<1x64xf32>
    %broadcast_in_dim3A_14 = vector.broadcast %broadcast_in_dim3A_13 : vector<1x64xf32> to vector<8x64xf32>
    %swap3A_15 = arith.constant 0 : index
    %swap3A_16 = arith.constant 0 : index
    %swap3A_17 = vector.load %arg5[%swap3A_15, %swap3A_16] : memref<8x64xf32, #tpu.memory_space<vmem>>, vector<8x64xf32>
    tpu.vector_store %arg5[%swap3A_15, %swap3A_16], %broadcast_in_dim3A_14 {strides = array<i32>} : memref<8x64xf32, #tpu.memory_space<vmem>>, vector<8x64xf32>,
    %mul3A = arith.mulf %add3A_9, %add3A_9 : vector<4096x64xf32>
    %reduce_sum3A_18 = arith.constant dense<0.000000e+00> : vector<64xf32>
    %reduce_sum3A_19 = vector.multi_reduction <add>, %mul3A, %reduce_sum3A_18 [0] : vector<4096x64xf32> to vector<64xf32>
    %broadcast_in_dim3A_20 = vector.shape_cast %reduce_sum3A_19 : vector<64xf32> to vector<1x64xf32>
    %broadcast_in_dim3A_21 = vector.shape_cast %broadcast_in_dim3A_20 : vector<1x64xf32> to vector<1x64xf32>
    %broadcast_in_dim3A_22 = vector.broadcast %broadcast_in_dim3A_21 : vector<1x64xf32> to vector<8x64xf32>
    %swap3A_23 = arith.constant 0 : index
    %swap3A_24 = arith.constant 0 : index
    %swap3A_25 = vector.load %arg6[%swap3A_23, %swap3A_24] : memref<8x64xf32, #tpu.memory_space<vmem>>, vector<8x64xf32>
    tpu.vector_store %arg6[%swap3A_23, %swap3A_24], %broadcast_in_dim3A_22 {strides = array<i32>} : memref<8x64xf32, #tpu.memory_space<vmem>>, vector<8x64xf32>,
    return
  }
  func.func @transform_0(%arg0: i32) -> (i32, i32) {
    %c0_i32 = arith.constant 0 : i32
    %c0_i32_0 = arith.constant 0 : i32
    return %arg0, %c0_i32 : i32, i32
  }
  func.func @transform_1(%arg0: i32) -> (i32, i32) {
    %c0_i32 = arith.constant 0 : i32
    %c0_i32_0 = arith.constant 0 : i32
    %c0_i32_1 = arith.constant 0 : i32
    return %c0_i32, %c0_i32_0 : i32, i32
  }
  func.func @transform_2(%arg0: i32) -> (i32, i32) {
    %c0_i32 = arith.constant 0 : i32
    %c0_i32_0 = arith.constant 0 : i32
    %c0_i32_1 = arith.constant 0 : i32
    return %c0_i32, %c0_i32_0 : i32, i32
  }
  func.func @transform_3(%arg0: i32) -> (i32, i32) {
    %c0_i32 = arith.constant 0 : i32
    %c0_i32_0 = arith.constant 0 : i32
    return %arg0, %c0_i32 : i32, i32
  }
  func.func @transform_4(%arg0: i32) -> (i32, i32) {
    %c0_i32 = arith.constant 0 : i32
    %c0_i32_0 = arith.constant 0 : i32
    return %arg0, %c0_i32 : i32, i32
  }
  func.func @transform_5(%arg0: i32) -> (i32, i32) {
    %c0_i32 = arith.constant 0 : i32
    %c0_i32_0 = arith.constant 0 : i32
    return %arg0, %c0_i32 : i32, i32
  }
}

module attributes {stable_mosaic.version = 14 : i64} {
  func.func @_mm_act_kernel(%arg0: i32, %arg1: memref<4096x64xf32, #tpu.memory_space<vmem>>, %arg2: memref<64x64xf32, #tpu.memory_space<vmem>>, %arg3: memref<1x64xf32, #tpu.memory_space<vmem>>, %arg4: memref<1x64xf32, #tpu.memory_space<vmem>>, %arg5: memref<1x64xf32, #tpu.memory_space<vmem>>, %arg6: memref<4096x64xf32, #tpu.memory_space<vmem>>, %arg7: memref<8x64xf32, #tpu.memory_space<vmem>>, %arg8: memref<8x64xf32, #tpu.memory_space<vmem>>) attributes {dimension_semantics = [#tpu.dimension_semantics<arbitrary>], iteration_bounds = array<i64: 8>, scalar_prefetch = 0 : i64, scratch_operands = 0 : i64, tpu.core_type = #tpu.core_type<tc>, window_params = [{transform_indices = @transform_0, window_bounds = array<i64: 4096, 64>}, {pipeline_mode = #tpu.pipeline_mode<synchronous>, transform_indices = @transform_1, window_bounds = array<i64: 64, 64>}, {pipeline_mode = #tpu.pipeline_mode<synchronous>, transform_indices = @transform_2, window_bounds = array<i64: 1, 64>}, {pipeline_mode = #tpu.pipeline_mode<synchronous>, transform_indices = @transform_3, window_bounds = array<i64: 1, 64>}, {pipeline_mode = #tpu.pipeline_mode<synchronous>, transform_indices = @transform_4, window_bounds = array<i64: 1, 64>}, {transform_indices = @transform_5, window_bounds = array<i64: 4096, 64>}, {transform_indices = @transform_6, window_bounds = array<i64: 8, 64>}, {transform_indices = @transform_7, window_bounds = array<i64: 8, 64>}]} {
    %get3A = arith.constant 0 : index
    %get3A_0 = arith.constant 0 : index
    %get3A_1 = vector.load %arg1[%get3A, %get3A_0] : memref<4096x64xf32, #tpu.memory_space<vmem>>, vector<4096x64xf32>
    %get3A_2 = arith.constant 0 : index
    %get3A_3 = arith.constant 0 : index
    %get3A_4 = vector.load %arg4[%get3A_2, %get3A_3] : memref<1x64xf32, #tpu.memory_space<vmem>>, vector<1x64xf32>
    %mul3A = vector.broadcast %get3A_4 : vector<1x64xf32> to vector<4096x64xf32>
    %mul3A_5 = arith.mulf %get3A_1, %mul3A : vector<4096x64xf32>
    %get3A_6 = arith.constant 0 : index
    %get3A_7 = arith.constant 0 : index
    %get3A_8 = vector.load %arg5[%get3A_6, %get3A_7] : memref<1x64xf32, #tpu.memory_space<vmem>>, vector<1x64xf32>
    %add3A = vector.broadcast %get3A_8 : vector<1x64xf32> to vector<4096x64xf32>
    %add3A_9 = arith.addf %mul3A_5, %add3A : vector<4096x64xf32>
    %max3A = arith.constant 0.000000e+00 : f32
    %max3A_10 = vector.broadcast %max3A : f32 to vector<4096x64xf32>
    %max3A_11 = arith.maximumf %add3A_9, %max3A_10 : vector<4096x64xf32>
    %get3A_12 = arith.constant 0 : index
    %get3A_13 = arith.constant 0 : index
    %get3A_14 = vector.load %arg2[%get3A_12, %get3A_13] : memref<64x64xf32, #tpu.memory_space<vmem>>, vector<64x64xf32>
    %transpose3A = tpu.transpose %get3A_14, [1, 0] : vector<64x64xf32> -> vector<64x64xf32>
    %dot_general3A = arith.constant dense<0.000000e+00> : vector<4096x64xf32>
    %dot_general3A_15 = tpu.matmul %max3A_11, %transpose3A, %dot_general3A {dimension_numbers = #tpu.dot_dimension_numbers<[1], [0], [0], [1], [0, 0, 1, 1], [], []>, transpose_lhs_hint = false} : vector<4096x64xf32>, vector<64x64xf32>, vector<4096x64xf32> -> vector<4096x64xf32>
    %get3A_16 = arith.constant 0 : index
    %get3A_17 = arith.constant 0 : index
    %get3A_18 = vector.load %arg3[%get3A_16, %get3A_17] : memref<1x64xf32, #tpu.memory_space<vmem>>, vector<1x64xf32>
    %add3A_19 = vector.broadcast %get3A_18 : vector<1x64xf32> to vector<4096x64xf32>
    %add3A_20 = arith.addf %dot_general3A_15, %add3A_19 : vector<4096x64xf32>
    %swap3A = arith.constant 0 : index
    %swap3A_21 = arith.constant 0 : index
    %swap3A_22 = vector.load %arg6[%swap3A, %swap3A_21] : memref<4096x64xf32, #tpu.memory_space<vmem>>, vector<4096x64xf32>
    tpu.vector_store %arg6[%swap3A, %swap3A_21], %add3A_20 {strides = array<i32>} : memref<4096x64xf32, #tpu.memory_space<vmem>>, vector<4096x64xf32>,
    %reduce_sum3A = arith.constant dense<0.000000e+00> : vector<64xf32>
    %reduce_sum3A_23 = vector.multi_reduction <add>, %add3A_20, %reduce_sum3A [0] : vector<4096x64xf32> to vector<64xf32>
    %broadcast_in_dim3A = vector.shape_cast %reduce_sum3A_23 : vector<64xf32> to vector<1x64xf32>
    %broadcast_in_dim3A_24 = vector.shape_cast %broadcast_in_dim3A : vector<1x64xf32> to vector<1x64xf32>
    %broadcast_in_dim3A_25 = vector.broadcast %broadcast_in_dim3A_24 : vector<1x64xf32> to vector<8x64xf32>
    %swap3A_26 = arith.constant 0 : index
    %swap3A_27 = arith.constant 0 : index
    %swap3A_28 = vector.load %arg7[%swap3A_26, %swap3A_27] : memref<8x64xf32, #tpu.memory_space<vmem>>, vector<8x64xf32>
    tpu.vector_store %arg7[%swap3A_26, %swap3A_27], %broadcast_in_dim3A_25 {strides = array<i32>} : memref<8x64xf32, #tpu.memory_space<vmem>>, vector<8x64xf32>,
    %mul3A_29 = arith.mulf %add3A_20, %add3A_20 : vector<4096x64xf32>
    %reduce_sum3A_30 = arith.constant dense<0.000000e+00> : vector<64xf32>
    %reduce_sum3A_31 = vector.multi_reduction <add>, %mul3A_29, %reduce_sum3A_30 [0] : vector<4096x64xf32> to vector<64xf32>
    %broadcast_in_dim3A_32 = vector.shape_cast %reduce_sum3A_31 : vector<64xf32> to vector<1x64xf32>
    %broadcast_in_dim3A_33 = vector.shape_cast %broadcast_in_dim3A_32 : vector<1x64xf32> to vector<1x64xf32>
    %broadcast_in_dim3A_34 = vector.broadcast %broadcast_in_dim3A_33 : vector<1x64xf32> to vector<8x64xf32>
    %swap3A_35 = arith.constant 0 : index
    %swap3A_36 = arith.constant 0 : index
    %swap3A_37 = vector.load %arg8[%swap3A_35, %swap3A_36] : memref<8x64xf32, #tpu.memory_space<vmem>>, vector<8x64xf32>
    tpu.vector_store %arg8[%swap3A_35, %swap3A_36], %broadcast_in_dim3A_34 {strides = array<i32>} : memref<8x64xf32, #tpu.memory_space<vmem>>, vector<8x64xf32>,
    return
  }
  func.func @transform_0(%arg0: i32) -> (i32, i32) {
    %c0_i32 = arith.constant 0 : i32
    %c0_i32_0 = arith.constant 0 : i32
    return %arg0, %c0_i32 : i32, i32
  }
  func.func @transform_1(%arg0: i32) -> (i32, i32) {
    %c0_i32 = arith.constant 0 : i32
    %c0_i32_0 = arith.constant 0 : i32
    %c0_i32_1 = arith.constant 0 : i32
    return %c0_i32, %c0_i32_0 : i32, i32
  }
  func.func @transform_2(%arg0: i32) -> (i32, i32) {
    %c0_i32 = arith.constant 0 : i32
    %c0_i32_0 = arith.constant 0 : i32
    %c0_i32_1 = arith.constant 0 : i32
    return %c0_i32, %c0_i32_0 : i32, i32
  }
  func.func @transform_3(%arg0: i32) -> (i32, i32) {
    %c0_i32 = arith.constant 0 : i32
    %c0_i32_0 = arith.constant 0 : i32
    %c0_i32_1 = arith.constant 0 : i32
    return %c0_i32, %c0_i32_0 : i32, i32
  }
  func.func @transform_4(%arg0: i32) -> (i32, i32) {
    %c0_i32 = arith.constant 0 : i32
    %c0_i32_0 = arith.constant 0 : i32
    %c0_i32_1 = arith.constant 0 : i32
    return %c0_i32, %c0_i32_0 : i32, i32
  }
  func.func @transform_5(%arg0: i32) -> (i32, i32) {
    %c0_i32 = arith.constant 0 : i32
    %c0_i32_0 = arith.constant 0 : i32
    return %arg0, %c0_i32 : i32, i32
  }
  func.func @transform_6(%arg0: i32) -> (i32, i32) {
    %c0_i32 = arith.constant 0 : i32
    %c0_i32_0 = arith.constant 0 : i32
    return %arg0, %c0_i32 : i32, i32
  }
  func.func @transform_7(%arg0: i32) -> (i32, i32) {
    %c0_i32 = arith.constant 0 : i32
    %c0_i32_0 = arith.constant 0 : i32
    return %arg0, %c0_i32 : i32, i32
  }
}

module attributes {stable_mosaic.version = 14 : i64} {
  func.func @_mm_act_kernel(%arg0: i32, %arg1: memref<4096x64xf32, #tpu.memory_space<vmem>>, %arg2: memref<128x64xf32, #tpu.memory_space<vmem>>, %arg3: memref<1x128xf32, #tpu.memory_space<vmem>>, %arg4: memref<1x64xf32, #tpu.memory_space<vmem>>, %arg5: memref<1x64xf32, #tpu.memory_space<vmem>>, %arg6: memref<4096x128xf32, #tpu.memory_space<vmem>>, %arg7: memref<8x128xf32, #tpu.memory_space<vmem>>, %arg8: memref<8x128xf32, #tpu.memory_space<vmem>>) attributes {dimension_semantics = [#tpu.dimension_semantics<arbitrary>], iteration_bounds = array<i64: 8>, scalar_prefetch = 0 : i64, scratch_operands = 0 : i64, tpu.core_type = #tpu.core_type<tc>, window_params = [{transform_indices = @transform_0, window_bounds = array<i64: 4096, 64>}, {pipeline_mode = #tpu.pipeline_mode<synchronous>, transform_indices = @transform_1, window_bounds = array<i64: 128, 64>}, {pipeline_mode = #tpu.pipeline_mode<synchronous>, transform_indices = @transform_2, window_bounds = array<i64: 1, 128>}, {pipeline_mode = #tpu.pipeline_mode<synchronous>, transform_indices = @transform_3, window_bounds = array<i64: 1, 64>}, {pipeline_mode = #tpu.pipeline_mode<synchronous>, transform_indices = @transform_4, window_bounds = array<i64: 1, 64>}, {transform_indices = @transform_5, window_bounds = array<i64: 4096, 128>}, {transform_indices = @transform_6, window_bounds = array<i64: 8, 128>}, {transform_indices = @transform_7, window_bounds = array<i64: 8, 128>}]} {
    %get3A = arith.constant 0 : index
    %get3A_0 = arith.constant 0 : index
    %get3A_1 = vector.load %arg1[%get3A, %get3A_0] : memref<4096x64xf32, #tpu.memory_space<vmem>>, vector<4096x64xf32>
    %get3A_2 = arith.constant 0 : index
    %get3A_3 = arith.constant 0 : index
    %get3A_4 = vector.load %arg4[%get3A_2, %get3A_3] : memref<1x64xf32, #tpu.memory_space<vmem>>, vector<1x64xf32>
    %mul3A = vector.broadcast %get3A_4 : vector<1x64xf32> to vector<4096x64xf32>
    %mul3A_5 = arith.mulf %get3A_1, %mul3A : vector<4096x64xf32>
    %get3A_6 = arith.constant 0 : index
    %get3A_7 = arith.constant 0 : index
    %get3A_8 = vector.load %arg5[%get3A_6, %get3A_7] : memref<1x64xf32, #tpu.memory_space<vmem>>, vector<1x64xf32>
    %add3A = vector.broadcast %get3A_8 : vector<1x64xf32> to vector<4096x64xf32>
    %add3A_9 = arith.addf %mul3A_5, %add3A : vector<4096x64xf32>
    %max3A = arith.constant 0.000000e+00 : f32
    %max3A_10 = vector.broadcast %max3A : f32 to vector<4096x64xf32>
    %max3A_11 = arith.maximumf %add3A_9, %max3A_10 : vector<4096x64xf32>
    %get3A_12 = arith.constant 0 : index
    %get3A_13 = arith.constant 0 : index
    %get3A_14 = vector.load %arg2[%get3A_12, %get3A_13] : memref<128x64xf32, #tpu.memory_space<vmem>>, vector<128x64xf32>
    %transpose3A = tpu.transpose %get3A_14, [1, 0] : vector<128x64xf32> -> vector<64x128xf32>
    %dot_general3A = arith.constant dense<0.000000e+00> : vector<4096x128xf32>
    %dot_general3A_15 = tpu.matmul %max3A_11, %transpose3A, %dot_general3A {dimension_numbers = #tpu.dot_dimension_numbers<[1], [0], [0], [1], [0, 0, 1, 1], [], []>, transpose_lhs_hint = false} : vector<4096x64xf32>, vector<64x128xf32>, vector<4096x128xf32> -> vector<4096x128xf32>
    %get3A_16 = arith.constant 0 : index
    %get3A_17 = arith.constant 0 : index
    %get3A_18 = vector.load %arg3[%get3A_16, %get3A_17] : memref<1x128xf32, #tpu.memory_space<vmem>>, vector<1x128xf32>
    %add3A_19 = vector.broadcast %get3A_18 : vector<1x128xf32> to vector<4096x128xf32>
    %add3A_20 = arith.addf %dot_general3A_15, %add3A_19 : vector<4096x128xf32>
    %swap3A = arith.constant 0 : index
    %swap3A_21 = arith.constant 0 : index
    %swap3A_22 = vector.load %arg6[%swap3A, %swap3A_21] : memref<4096x128xf32, #tpu.memory_space<vmem>>, vector<4096x128xf32>
    tpu.vector_store %arg6[%swap3A, %swap3A_21], %add3A_20 {strides = array<i32>} : memref<4096x128xf32, #tpu.memory_space<vmem>>, vector<4096x128xf32>,
    %reduce_sum3A = arith.constant dense<0.000000e+00> : vector<128xf32>
    %reduce_sum3A_23 = vector.multi_reduction <add>, %add3A_20, %reduce_sum3A [0] : vector<4096x128xf32> to vector<128xf32>
    %broadcast_in_dim3A = vector.shape_cast %reduce_sum3A_23 : vector<128xf32> to vector<1x128xf32>
    %broadcast_in_dim3A_24 = vector.shape_cast %broadcast_in_dim3A : vector<1x128xf32> to vector<1x128xf32>
    %broadcast_in_dim3A_25 = vector.broadcast %broadcast_in_dim3A_24 : vector<1x128xf32> to vector<8x128xf32>
    %swap3A_26 = arith.constant 0 : index
    %swap3A_27 = arith.constant 0 : index
    %swap3A_28 = vector.load %arg7[%swap3A_26, %swap3A_27] : memref<8x128xf32, #tpu.memory_space<vmem>>, vector<8x128xf32>
    tpu.vector_store %arg7[%swap3A_26, %swap3A_27], %broadcast_in_dim3A_25 {strides = array<i32>} : memref<8x128xf32, #tpu.memory_space<vmem>>, vector<8x128xf32>,
    %mul3A_29 = arith.mulf %add3A_20, %add3A_20 : vector<4096x128xf32>
    %reduce_sum3A_30 = arith.constant dense<0.000000e+00> : vector<128xf32>
    %reduce_sum3A_31 = vector.multi_reduction <add>, %mul3A_29, %reduce_sum3A_30 [0] : vector<4096x128xf32> to vector<128xf32>
    %broadcast_in_dim3A_32 = vector.shape_cast %reduce_sum3A_31 : vector<128xf32> to vector<1x128xf32>
    %broadcast_in_dim3A_33 = vector.shape_cast %broadcast_in_dim3A_32 : vector<1x128xf32> to vector<1x128xf32>
    %broadcast_in_dim3A_34 = vector.broadcast %broadcast_in_dim3A_33 : vector<1x128xf32> to vector<8x128xf32>
    %swap3A_35 = arith.constant 0 : index
    %swap3A_36 = arith.constant 0 : index
    %swap3A_37 = vector.load %arg8[%swap3A_35, %swap3A_36] : memref<8x128xf32, #tpu.memory_space<vmem>>, vector<8x128xf32>
    tpu.vector_store %arg8[%swap3A_35, %swap3A_36], %broadcast_in_dim3A_34 {strides = array<i32>} : memref<8x128xf32, #tpu.memory_space<vmem>>, vector<8x128xf32>,
    return
  }
  func.func @transform_0(%arg0: i32) -> (i32, i32) {
    %c0_i32 = arith.constant 0 : i32
    %c0_i32_0 = arith.constant 0 : i32
    return %arg0, %c0_i32 : i32, i32
  }
  func.func @transform_1(%arg0: i32) -> (i32, i32) {
    %c0_i32 = arith.constant 0 : i32
    %c0_i32_0 = arith.constant 0 : i32
    %c0_i32_1 = arith.constant 0 : i32
    return %c0_i32, %c0_i32_0 : i32, i32
  }
  func.func @transform_2(%arg0: i32) -> (i32, i32) {
    %c0_i32 = arith.constant 0 : i32
    %c0_i32_0 = arith.constant 0 : i32
    %c0_i32_1 = arith.constant 0 : i32
    return %c0_i32, %c0_i32_0 : i32, i32
  }
  func.func @transform_3(%arg0: i32) -> (i32, i32) {
    %c0_i32 = arith.constant 0 : i32
    %c0_i32_0 = arith.constant 0 : i32
    %c0_i32_1 = arith.constant 0 : i32
    return %c0_i32, %c0_i32_0 : i32, i32
  }
  func.func @transform_4(%arg0: i32) -> (i32, i32) {
    %c0_i32 = arith.constant 0 : i32
    %c0_i32_0 = arith.constant 0 : i32
    %c0_i32_1 = arith.constant 0 : i32
    return %c0_i32, %c0_i32_0 : i32, i32
  }
  func.func @transform_5(%arg0: i32) -> (i32, i32) {
    %c0_i32 = arith.constant 0 : i32
    %c0_i32_0 = arith.constant 0 : i32
    return %arg0, %c0_i32 : i32, i32
  }
  func.func @transform_6(%arg0: i32) -> (i32, i32) {
    %c0_i32 = arith.constant 0 : i32
    %c0_i32_0 = arith.constant 0 : i32
    return %arg0, %c0_i32 : i32, i32
  }
  func.func @transform_7(%arg0: i32) -> (i32, i32) {
    %c0_i32 = arith.constant 0 : i32
    %c0_i32_0 = arith.constant 0 : i32
    return %arg0, %c0_i32 : i32, i32
  }
}

module attributes {stable_mosaic.version = 14 : i64} {
  func.func @_mm_kernel(%arg0: i32, %arg1: memref<4096x323xf32, #tpu.memory_space<vmem>>, %arg2: memref<128x323xf32, #tpu.memory_space<vmem>>, %arg3: memref<1x128xf32, #tpu.memory_space<vmem>>, %arg4: memref<4096x128xf32, #tpu.memory_space<vmem>>, %arg5: memref<8x128xf32, #tpu.memory_space<vmem>>, %arg6: memref<8x128xf32, #tpu.memory_space<vmem>>) attributes {dimension_semantics = [#tpu.dimension_semantics<arbitrary>], iteration_bounds = array<i64: 16>, scalar_prefetch = 0 : i64, scratch_operands = 0 : i64, tpu.core_type = #tpu.core_type<tc>, window_params = [{transform_indices = @transform_0, window_bounds = array<i64: 4096, 323>}, {pipeline_mode = #tpu.pipeline_mode<synchronous>, transform_indices = @transform_1, window_bounds = array<i64: 128, 323>}, {pipeline_mode = #tpu.pipeline_mode<synchronous>, transform_indices = @transform_2, window_bounds = array<i64: 1, 128>}, {transform_indices = @transform_3, window_bounds = array<i64: 4096, 128>}, {transform_indices = @transform_4, window_bounds = array<i64: 8, 128>}, {transform_indices = @transform_5, window_bounds = array<i64: 8, 128>}]} {
    %get3A = arith.constant 0 : index
    %get3A_0 = arith.constant 0 : index
    %get3A_1 = vector.load %arg1[%get3A, %get3A_0] : memref<4096x323xf32, #tpu.memory_space<vmem>>, vector<4096x323xf32>
    %get3A_2 = arith.constant 0 : index
    %get3A_3 = arith.constant 0 : index
    %get3A_4 = vector.load %arg2[%get3A_2, %get3A_3] : memref<128x323xf32, #tpu.memory_space<vmem>>, vector<128x323xf32>
    %transpose3A = tpu.transpose %get3A_4, [1, 0] : vector<128x323xf32> -> vector<323x128xf32>
    %dot_general3A = arith.constant dense<0.000000e+00> : vector<4096x128xf32>
    %dot_general3A_5 = tpu.matmul %get3A_1, %transpose3A, %dot_general3A {dimension_numbers = #tpu.dot_dimension_numbers<[1], [0], [0], [1], [0, 0, 1, 1], [], []>, transpose_lhs_hint = false} : vector<4096x323xf32>, vector<323x128xf32>, vector<4096x128xf32> -> vector<4096x128xf32>
    %get3A_6 = arith.constant 0 : index
    %get3A_7 = arith.constant 0 : index
    %get3A_8 = vector.load %arg3[%get3A_6, %get3A_7] : memref<1x128xf32, #tpu.memory_space<vmem>>, vector<1x128xf32>
    %add3A = vector.broadcast %get3A_8 : vector<1x128xf32> to vector<4096x128xf32>
    %add3A_9 = arith.addf %dot_general3A_5, %add3A : vector<4096x128xf32>
    %swap3A = arith.constant 0 : index
    %swap3A_10 = arith.constant 0 : index
    %swap3A_11 = vector.load %arg4[%swap3A, %swap3A_10] : memref<4096x128xf32, #tpu.memory_space<vmem>>, vector<4096x128xf32>
    tpu.vector_store %arg4[%swap3A, %swap3A_10], %add3A_9 {strides = array<i32>} : memref<4096x128xf32, #tpu.memory_space<vmem>>, vector<4096x128xf32>,
    %reduce_sum3A = arith.constant dense<0.000000e+00> : vector<128xf32>
    %reduce_sum3A_12 = vector.multi_reduction <add>, %add3A_9, %reduce_sum3A [0] : vector<4096x128xf32> to vector<128xf32>
    %broadcast_in_dim3A = vector.shape_cast %reduce_sum3A_12 : vector<128xf32> to vector<1x128xf32>
    %broadcast_in_dim3A_13 = vector.shape_cast %broadcast_in_dim3A : vector<1x128xf32> to vector<1x128xf32>
    %broadcast_in_dim3A_14 = vector.broadcast %broadcast_in_dim3A_13 : vector<1x128xf32> to vector<8x128xf32>
    %swap3A_15 = arith.constant 0 : index
    %swap3A_16 = arith.constant 0 : index
    %swap3A_17 = vector.load %arg5[%swap3A_15, %swap3A_16] : memref<8x128xf32, #tpu.memory_space<vmem>>, vector<8x128xf32>
    tpu.vector_store %arg5[%swap3A_15, %swap3A_16], %broadcast_in_dim3A_14 {strides = array<i32>} : memref<8x128xf32, #tpu.memory_space<vmem>>, vector<8x128xf32>,
    %mul3A = arith.mulf %add3A_9, %add3A_9 : vector<4096x128xf32>
    %reduce_sum3A_18 = arith.constant dense<0.000000e+00> : vector<128xf32>
    %reduce_sum3A_19 = vector.multi_reduction <add>, %mul3A, %reduce_sum3A_18 [0] : vector<4096x128xf32> to vector<128xf32>
    %broadcast_in_dim3A_20 = vector.shape_cast %reduce_sum3A_19 : vector<128xf32> to vector<1x128xf32>
    %broadcast_in_dim3A_21 = vector.shape_cast %broadcast_in_dim3A_20 : vector<1x128xf32> to vector<1x128xf32>
    %broadcast_in_dim3A_22 = vector.broadcast %broadcast_in_dim3A_21 : vector<1x128xf32> to vector<8x128xf32>
    %swap3A_23 = arith.constant 0 : index
    %swap3A_24 = arith.constant 0 : index
    %swap3A_25 = vector.load %arg6[%swap3A_23, %swap3A_24] : memref<8x128xf32, #tpu.memory_space<vmem>>, vector<8x128xf32>
    tpu.vector_store %arg6[%swap3A_23, %swap3A_24], %broadcast_in_dim3A_22 {strides = array<i32>} : memref<8x128xf32, #tpu.memory_space<vmem>>, vector<8x128xf32>,
    return
  }
  func.func @transform_0(%arg0: i32) -> (i32, i32) {
    %c0_i32 = arith.constant 0 : i32
    %c0_i32_0 = arith.constant 0 : i32
    return %arg0, %c0_i32 : i32, i32
  }
  func.func @transform_1(%arg0: i32) -> (i32, i32) {
    %c0_i32 = arith.constant 0 : i32
    %c0_i32_0 = arith.constant 0 : i32
    %c0_i32_1 = arith.constant 0 : i32
    return %c0_i32, %c0_i32_0 : i32, i32
  }
  func.func @transform_2(%arg0: i32) -> (i32, i32) {
    %c0_i32 = arith.constant 0 : i32
    %c0_i32_0 = arith.constant 0 : i32
    %c0_i32_1 = arith.constant 0 : i32
    return %c0_i32, %c0_i32_0 : i32, i32
  }
  func.func @transform_3(%arg0: i32) -> (i32, i32) {
    %c0_i32 = arith.constant 0 : i32
    %c0_i32_0 = arith.constant 0 : i32
    return %arg0, %c0_i32 : i32, i32
  }
  func.func @transform_4(%arg0: i32) -> (i32, i32) {
    %c0_i32 = arith.constant 0 : i32
    %c0_i32_0 = arith.constant 0 : i32
    return %arg0, %c0_i32 : i32, i32
  }
  func.func @transform_5(%arg0: i32) -> (i32, i32) {
    %c0_i32 = arith.constant 0 : i32
    %c0_i32_0 = arith.constant 0 : i32
    return %arg0, %c0_i32 : i32, i32
  }
}

module attributes {stable_mosaic.version = 14 : i64} {
  func.func @_mm_act_kernel(%arg0: i32, %arg1: memref<4096x128xf32, #tpu.memory_space<vmem>>, %arg2: memref<128x128xf32, #tpu.memory_space<vmem>>, %arg3: memref<1x128xf32, #tpu.memory_space<vmem>>, %arg4: memref<1x128xf32, #tpu.memory_space<vmem>>, %arg5: memref<1x128xf32, #tpu.memory_space<vmem>>, %arg6: memref<4096x128xf32, #tpu.memory_space<vmem>>, %arg7: memref<8x128xf32, #tpu.memory_space<vmem>>, %arg8: memref<8x128xf32, #tpu.memory_space<vmem>>) attributes {dimension_semantics = [#tpu.dimension_semantics<arbitrary>], iteration_bounds = array<i64: 16>, scalar_prefetch = 0 : i64, scratch_operands = 0 : i64, tpu.core_type = #tpu.core_type<tc>, window_params = [{transform_indices = @transform_0, window_bounds = array<i64: 4096, 128>}, {pipeline_mode = #tpu.pipeline_mode<synchronous>, transform_indices = @transform_1, window_bounds = array<i64: 128, 128>}, {pipeline_mode = #tpu.pipeline_mode<synchronous>, transform_indices = @transform_2, window_bounds = array<i64: 1, 128>}, {pipeline_mode = #tpu.pipeline_mode<synchronous>, transform_indices = @transform_3, window_bounds = array<i64: 1, 128>}, {pipeline_mode = #tpu.pipeline_mode<synchronous>, transform_indices = @transform_4, window_bounds = array<i64: 1, 128>}, {transform_indices = @transform_5, window_bounds = array<i64: 4096, 128>}, {transform_indices = @transform_6, window_bounds = array<i64: 8, 128>}, {transform_indices = @transform_7, window_bounds = array<i64: 8, 128>}]} {
    %get3A = arith.constant 0 : index
    %get3A_0 = arith.constant 0 : index
    %get3A_1 = vector.load %arg1[%get3A, %get3A_0] : memref<4096x128xf32, #tpu.memory_space<vmem>>, vector<4096x128xf32>
    %get3A_2 = arith.constant 0 : index
    %get3A_3 = arith.constant 0 : index
    %get3A_4 = vector.load %arg4[%get3A_2, %get3A_3] : memref<1x128xf32, #tpu.memory_space<vmem>>, vector<1x128xf32>
    %mul3A = vector.broadcast %get3A_4 : vector<1x128xf32> to vector<4096x128xf32>
    %mul3A_5 = arith.mulf %get3A_1, %mul3A : vector<4096x128xf32>
    %get3A_6 = arith.constant 0 : index
    %get3A_7 = arith.constant 0 : index
    %get3A_8 = vector.load %arg5[%get3A_6, %get3A_7] : memref<1x128xf32, #tpu.memory_space<vmem>>, vector<1x128xf32>
    %add3A = vector.broadcast %get3A_8 : vector<1x128xf32> to vector<4096x128xf32>
    %add3A_9 = arith.addf %mul3A_5, %add3A : vector<4096x128xf32>
    %max3A = arith.constant 0.000000e+00 : f32
    %max3A_10 = vector.broadcast %max3A : f32 to vector<4096x128xf32>
    %max3A_11 = arith.maximumf %add3A_9, %max3A_10 : vector<4096x128xf32>
    %get3A_12 = arith.constant 0 : index
    %get3A_13 = arith.constant 0 : index
    %get3A_14 = vector.load %arg2[%get3A_12, %get3A_13] : memref<128x128xf32, #tpu.memory_space<vmem>>, vector<128x128xf32>
    %transpose3A = tpu.transpose %get3A_14, [1, 0] : vector<128x128xf32> -> vector<128x128xf32>
    %dot_general3A = arith.constant dense<0.000000e+00> : vector<4096x128xf32>
    %dot_general3A_15 = tpu.matmul %max3A_11, %transpose3A, %dot_general3A {dimension_numbers = #tpu.dot_dimension_numbers<[1], [0], [0], [1], [0, 0, 1, 1], [], []>, transpose_lhs_hint = false} : vector<4096x128xf32>, vector<128x128xf32>, vector<4096x128xf32> -> vector<4096x128xf32>
    %get3A_16 = arith.constant 0 : index
    %get3A_17 = arith.constant 0 : index
    %get3A_18 = vector.load %arg3[%get3A_16, %get3A_17] : memref<1x128xf32, #tpu.memory_space<vmem>>, vector<1x128xf32>
    %add3A_19 = vector.broadcast %get3A_18 : vector<1x128xf32> to vector<4096x128xf32>
    %add3A_20 = arith.addf %dot_general3A_15, %add3A_19 : vector<4096x128xf32>
    %swap3A = arith.constant 0 : index
    %swap3A_21 = arith.constant 0 : index
    %swap3A_22 = vector.load %arg6[%swap3A, %swap3A_21] : memref<4096x128xf32, #tpu.memory_space<vmem>>, vector<4096x128xf32>
    tpu.vector_store %arg6[%swap3A, %swap3A_21], %add3A_20 {strides = array<i32>} : memref<4096x128xf32, #tpu.memory_space<vmem>>, vector<4096x128xf32>,
    %reduce_sum3A = arith.constant dense<0.000000e+00> : vector<128xf32>
    %reduce_sum3A_23 = vector.multi_reduction <add>, %add3A_20, %reduce_sum3A [0] : vector<4096x128xf32> to vector<128xf32>
    %broadcast_in_dim3A = vector.shape_cast %reduce_sum3A_23 : vector<128xf32> to vector<1x128xf32>
    %broadcast_in_dim3A_24 = vector.shape_cast %broadcast_in_dim3A : vector<1x128xf32> to vector<1x128xf32>
    %broadcast_in_dim3A_25 = vector.broadcast %broadcast_in_dim3A_24 : vector<1x128xf32> to vector<8x128xf32>
    %swap3A_26 = arith.constant 0 : index
    %swap3A_27 = arith.constant 0 : index
    %swap3A_28 = vector.load %arg7[%swap3A_26, %swap3A_27] : memref<8x128xf32, #tpu.memory_space<vmem>>, vector<8x128xf32>
    tpu.vector_store %arg7[%swap3A_26, %swap3A_27], %broadcast_in_dim3A_25 {strides = array<i32>} : memref<8x128xf32, #tpu.memory_space<vmem>>, vector<8x128xf32>,
    %mul3A_29 = arith.mulf %add3A_20, %add3A_20 : vector<4096x128xf32>
    %reduce_sum3A_30 = arith.constant dense<0.000000e+00> : vector<128xf32>
    %reduce_sum3A_31 = vector.multi_reduction <add>, %mul3A_29, %reduce_sum3A_30 [0] : vector<4096x128xf32> to vector<128xf32>
    %broadcast_in_dim3A_32 = vector.shape_cast %reduce_sum3A_31 : vector<128xf32> to vector<1x128xf32>
    %broadcast_in_dim3A_33 = vector.shape_cast %broadcast_in_dim3A_32 : vector<1x128xf32> to vector<1x128xf32>
    %broadcast_in_dim3A_34 = vector.broadcast %broadcast_in_dim3A_33 : vector<1x128xf32> to vector<8x128xf32>
    %swap3A_35 = arith.constant 0 : index
    %swap3A_36 = arith.constant 0 : index
    %swap3A_37 = vector.load %arg8[%swap3A_35, %swap3A_36] : memref<8x128xf32, #tpu.memory_space<vmem>>, vector<8x128xf32>
    tpu.vector_store %arg8[%swap3A_35, %swap3A_36], %broadcast_in_dim3A_34 {strides = array<i32>} : memref<8x128xf32, #tpu.memory_space<vmem>>, vector<8x128xf32>,
    return
  }
  func.func @transform_0(%arg0: i32) -> (i32, i32) {
    %c0_i32 = arith.constant 0 : i32
    %c0_i32_0 = arith.constant 0 : i32
    return %arg0, %c0_i32 : i32, i32
  }
  func.func @transform_1(%arg0: i32) -> (i32, i32) {
    %c0_i32 = arith.constant 0 : i32
    %c0_i32_0 = arith.constant 0 : i32
    %c0_i32_1 = arith.constant 0 : i32
    return %c0_i32, %c0_i32_0 : i32, i32
  }
  func.func @transform_2(%arg0: i32) -> (i32, i32) {
    %c0_i32 = arith.constant 0 : i32
    %c0_i32_0 = arith.constant 0 : i32
    %c0_i32_1 = arith.constant 0 : i32
    return %c0_i32, %c0_i32_0 : i32, i32
  }
  func.func @transform_3(%arg0: i32) -> (i32, i32) {
    %c0_i32 = arith.constant 0 : i32
    %c0_i32_0 = arith.constant 0 : i32
    %c0_i32_1 = arith.constant 0 : i32
    return %c0_i32, %c0_i32_0 : i32, i32
  }
  func.func @transform_4(%arg0: i32) -> (i32, i32) {
    %c0_i32 = arith.constant 0 : i32
    %c0_i32_0 = arith.constant 0 : i32
    %c0_i32_1 = arith.constant 0 : i32
    return %c0_i32, %c0_i32_0 : i32, i32
  }
  func.func @transform_5(%arg0: i32) -> (i32, i32) {
    %c0_i32 = arith.constant 0 : i32
    %c0_i32_0 = arith.constant 0 : i32
    return %arg0, %c0_i32 : i32, i32
  }
  func.func @transform_6(%arg0: i32) -> (i32, i32) {
    %c0_i32 = arith.constant 0 : i32
    %c0_i32_0 = arith.constant 0 : i32
    return %arg0, %c0_i32 : i32, i32
  }
  func.func @transform_7(%arg0: i32) -> (i32, i32) {
    %c0_i32 = arith.constant 0 : i32
    %c0_i32_0 = arith.constant 0 : i32
    return %arg0, %c0_i32 : i32, i32
  }
}

module attributes {stable_mosaic.version = 14 : i64} {
  func.func @_mm_act_kernel(%arg0: i32, %arg1: memref<4096x128xf32, #tpu.memory_space<vmem>>, %arg2: memref<256x128xf32, #tpu.memory_space<vmem>>, %arg3: memref<1x256xf32, #tpu.memory_space<vmem>>, %arg4: memref<1x128xf32, #tpu.memory_space<vmem>>, %arg5: memref<1x128xf32, #tpu.memory_space<vmem>>, %arg6: memref<4096x256xf32, #tpu.memory_space<vmem>>, %arg7: memref<8x256xf32, #tpu.memory_space<vmem>>, %arg8: memref<8x256xf32, #tpu.memory_space<vmem>>) attributes {dimension_semantics = [#tpu.dimension_semantics<arbitrary>], iteration_bounds = array<i64: 16>, scalar_prefetch = 0 : i64, scratch_operands = 0 : i64, tpu.core_type = #tpu.core_type<tc>, window_params = [{transform_indices = @transform_0, window_bounds = array<i64: 4096, 128>}, {pipeline_mode = #tpu.pipeline_mode<synchronous>, transform_indices = @transform_1, window_bounds = array<i64: 256, 128>}, {pipeline_mode = #tpu.pipeline_mode<synchronous>, transform_indices = @transform_2, window_bounds = array<i64: 1, 256>}, {pipeline_mode = #tpu.pipeline_mode<synchronous>, transform_indices = @transform_3, window_bounds = array<i64: 1, 128>}, {pipeline_mode = #tpu.pipeline_mode<synchronous>, transform_indices = @transform_4, window_bounds = array<i64: 1, 128>}, {transform_indices = @transform_5, window_bounds = array<i64: 4096, 256>}, {transform_indices = @transform_6, window_bounds = array<i64: 8, 256>}, {transform_indices = @transform_7, window_bounds = array<i64: 8, 256>}]} {
    %get3A = arith.constant 0 : index
    %get3A_0 = arith.constant 0 : index
    %get3A_1 = vector.load %arg1[%get3A, %get3A_0] : memref<4096x128xf32, #tpu.memory_space<vmem>>, vector<4096x128xf32>
    %get3A_2 = arith.constant 0 : index
    %get3A_3 = arith.constant 0 : index
    %get3A_4 = vector.load %arg4[%get3A_2, %get3A_3] : memref<1x128xf32, #tpu.memory_space<vmem>>, vector<1x128xf32>
    %mul3A = vector.broadcast %get3A_4 : vector<1x128xf32> to vector<4096x128xf32>
    %mul3A_5 = arith.mulf %get3A_1, %mul3A : vector<4096x128xf32>
    %get3A_6 = arith.constant 0 : index
    %get3A_7 = arith.constant 0 : index
    %get3A_8 = vector.load %arg5[%get3A_6, %get3A_7] : memref<1x128xf32, #tpu.memory_space<vmem>>, vector<1x128xf32>
    %add3A = vector.broadcast %get3A_8 : vector<1x128xf32> to vector<4096x128xf32>
    %add3A_9 = arith.addf %mul3A_5, %add3A : vector<4096x128xf32>
    %max3A = arith.constant 0.000000e+00 : f32
    %max3A_10 = vector.broadcast %max3A : f32 to vector<4096x128xf32>
    %max3A_11 = arith.maximumf %add3A_9, %max3A_10 : vector<4096x128xf32>
    %get3A_12 = arith.constant 0 : index
    %get3A_13 = arith.constant 0 : index
    %get3A_14 = vector.load %arg2[%get3A_12, %get3A_13] : memref<256x128xf32, #tpu.memory_space<vmem>>, vector<256x128xf32>
    %transpose3A = tpu.transpose %get3A_14, [1, 0] : vector<256x128xf32> -> vector<128x256xf32>
    %dot_general3A = arith.constant dense<0.000000e+00> : vector<4096x256xf32>
    %dot_general3A_15 = tpu.matmul %max3A_11, %transpose3A, %dot_general3A {dimension_numbers = #tpu.dot_dimension_numbers<[1], [0], [0], [1], [0, 0, 1, 1], [], []>, transpose_lhs_hint = false} : vector<4096x128xf32>, vector<128x256xf32>, vector<4096x256xf32> -> vector<4096x256xf32>
    %get3A_16 = arith.constant 0 : index
    %get3A_17 = arith.constant 0 : index
    %get3A_18 = vector.load %arg3[%get3A_16, %get3A_17] : memref<1x256xf32, #tpu.memory_space<vmem>>, vector<1x256xf32>
    %add3A_19 = vector.broadcast %get3A_18 : vector<1x256xf32> to vector<4096x256xf32>
    %add3A_20 = arith.addf %dot_general3A_15, %add3A_19 : vector<4096x256xf32>
    %swap3A = arith.constant 0 : index
    %swap3A_21 = arith.constant 0 : index
    %swap3A_22 = vector.load %arg6[%swap3A, %swap3A_21] : memref<4096x256xf32, #tpu.memory_space<vmem>>, vector<4096x256xf32>
    tpu.vector_store %arg6[%swap3A, %swap3A_21], %add3A_20 {strides = array<i32>} : memref<4096x256xf32, #tpu.memory_space<vmem>>, vector<4096x256xf32>,
    %reduce_sum3A = arith.constant dense<0.000000e+00> : vector<256xf32>
    %reduce_sum3A_23 = vector.multi_reduction <add>, %add3A_20, %reduce_sum3A [0] : vector<4096x256xf32> to vector<256xf32>
    %broadcast_in_dim3A = vector.shape_cast %reduce_sum3A_23 : vector<256xf32> to vector<1x256xf32>
    %broadcast_in_dim3A_24 = vector.shape_cast %broadcast_in_dim3A : vector<1x256xf32> to vector<1x256xf32>
    %broadcast_in_dim3A_25 = vector.broadcast %broadcast_in_dim3A_24 : vector<1x256xf32> to vector<8x256xf32>
    %swap3A_26 = arith.constant 0 : index
    %swap3A_27 = arith.constant 0 : index
    %swap3A_28 = vector.load %arg7[%swap3A_26, %swap3A_27] : memref<8x256xf32, #tpu.memory_space<vmem>>, vector<8x256xf32>
    tpu.vector_store %arg7[%swap3A_26, %swap3A_27], %broadcast_in_dim3A_25 {strides = array<i32>} : memref<8x256xf32, #tpu.memory_space<vmem>>, vector<8x256xf32>,
    %mul3A_29 = arith.mulf %add3A_20, %add3A_20 : vector<4096x256xf32>
    %reduce_sum3A_30 = arith.constant dense<0.000000e+00> : vector<256xf32>
    %reduce_sum3A_31 = vector.multi_reduction <add>, %mul3A_29, %reduce_sum3A_30 [0] : vector<4096x256xf32> to vector<256xf32>
    %broadcast_in_dim3A_32 = vector.shape_cast %reduce_sum3A_31 : vector<256xf32> to vector<1x256xf32>
    %broadcast_in_dim3A_33 = vector.shape_cast %broadcast_in_dim3A_32 : vector<1x256xf32> to vector<1x256xf32>
    %broadcast_in_dim3A_34 = vector.broadcast %broadcast_in_dim3A_33 : vector<1x256xf32> to vector<8x256xf32>
    %swap3A_35 = arith.constant 0 : index
    %swap3A_36 = arith.constant 0 : index
    %swap3A_37 = vector.load %arg8[%swap3A_35, %swap3A_36] : memref<8x256xf32, #tpu.memory_space<vmem>>, vector<8x256xf32>
    tpu.vector_store %arg8[%swap3A_35, %swap3A_36], %broadcast_in_dim3A_34 {strides = array<i32>} : memref<8x256xf32, #tpu.memory_space<vmem>>, vector<8x256xf32>,
    return
  }
  func.func @transform_0(%arg0: i32) -> (i32, i32) {
    %c0_i32 = arith.constant 0 : i32
    %c0_i32_0 = arith.constant 0 : i32
    return %arg0, %c0_i32 : i32, i32
  }
  func.func @transform_1(%arg0: i32) -> (i32, i32) {
    %c0_i32 = arith.constant 0 : i32
    %c0_i32_0 = arith.constant 0 : i32
    %c0_i32_1 = arith.constant 0 : i32
    return %c0_i32, %c0_i32_0 : i32, i32
  }
  func.func @transform_2(%arg0: i32) -> (i32, i32) {
    %c0_i32 = arith.constant 0 : i32
    %c0_i32_0 = arith.constant 0 : i32
    %c0_i32_1 = arith.constant 0 : i32
    return %c0_i32, %c0_i32_0 : i32, i32
  }
  func.func @transform_3(%arg0: i32) -> (i32, i32) {
    %c0_i32 = arith.constant 0 : i32
    %c0_i32_0 = arith.constant 0 : i32
    %c0_i32_1 = arith.constant 0 : i32
    return %c0_i32, %c0_i32_0 : i32, i32
  }
  func.func @transform_4(%arg0: i32) -> (i32, i32) {
    %c0_i32 = arith.constant 0 : i32
    %c0_i32_0 = arith.constant 0 : i32
    %c0_i32_1 = arith.constant 0 : i32
    return %c0_i32, %c0_i32_0 : i32, i32
  }
  func.func @transform_5(%arg0: i32) -> (i32, i32) {
    %c0_i32 = arith.constant 0 : i32
    %c0_i32_0 = arith.constant 0 : i32
    return %arg0, %c0_i32 : i32, i32
  }
  func.func @transform_6(%arg0: i32) -> (i32, i32) {
    %c0_i32 = arith.constant 0 : i32
    %c0_i32_0 = arith.constant 0 : i32
    return %arg0, %c0_i32 : i32, i32
  }
  func.func @transform_7(%arg0: i32) -> (i32, i32) {
    %c0_i32 = arith.constant 0 : i32
    %c0_i32_0 = arith.constant 0 : i32
    return %arg0, %c0_i32 : i32, i32
  }
}

module attributes {stable_mosaic.version = 14 : i64} {
  func.func @_mm_kernel(%arg0: i32, %arg1: memref<4096x323xf32, #tpu.memory_space<vmem>>, %arg2: memref<128x323xf32, #tpu.memory_space<vmem>>, %arg3: memref<1x128xf32, #tpu.memory_space<vmem>>, %arg4: memref<4096x128xf32, #tpu.memory_space<vmem>>, %arg5: memref<8x128xf32, #tpu.memory_space<vmem>>, %arg6: memref<8x128xf32, #tpu.memory_space<vmem>>) attributes {dimension_semantics = [#tpu.dimension_semantics<arbitrary>], iteration_bounds = array<i64: 32>, scalar_prefetch = 0 : i64, scratch_operands = 0 : i64, tpu.core_type = #tpu.core_type<tc>, window_params = [{transform_indices = @transform_0, window_bounds = array<i64: 4096, 323>}, {pipeline_mode = #tpu.pipeline_mode<synchronous>, transform_indices = @transform_1, window_bounds = array<i64: 128, 323>}, {pipeline_mode = #tpu.pipeline_mode<synchronous>, transform_indices = @transform_2, window_bounds = array<i64: 1, 128>}, {transform_indices = @transform_3, window_bounds = array<i64: 4096, 128>}, {transform_indices = @transform_4, window_bounds = array<i64: 8, 128>}, {transform_indices = @transform_5, window_bounds = array<i64: 8, 128>}]} {
    %get3A = arith.constant 0 : index
    %get3A_0 = arith.constant 0 : index
    %get3A_1 = vector.load %arg1[%get3A, %get3A_0] : memref<4096x323xf32, #tpu.memory_space<vmem>>, vector<4096x323xf32>
    %get3A_2 = arith.constant 0 : index
    %get3A_3 = arith.constant 0 : index
    %get3A_4 = vector.load %arg2[%get3A_2, %get3A_3] : memref<128x323xf32, #tpu.memory_space<vmem>>, vector<128x323xf32>
    %transpose3A = tpu.transpose %get3A_4, [1, 0] : vector<128x323xf32> -> vector<323x128xf32>
    %dot_general3A = arith.constant dense<0.000000e+00> : vector<4096x128xf32>
    %dot_general3A_5 = tpu.matmul %get3A_1, %transpose3A, %dot_general3A {dimension_numbers = #tpu.dot_dimension_numbers<[1], [0], [0], [1], [0, 0, 1, 1], [], []>, transpose_lhs_hint = false} : vector<4096x323xf32>, vector<323x128xf32>, vector<4096x128xf32> -> vector<4096x128xf32>
    %get3A_6 = arith.constant 0 : index
    %get3A_7 = arith.constant 0 : index
    %get3A_8 = vector.load %arg3[%get3A_6, %get3A_7] : memref<1x128xf32, #tpu.memory_space<vmem>>, vector<1x128xf32>
    %add3A = vector.broadcast %get3A_8 : vector<1x128xf32> to vector<4096x128xf32>
    %add3A_9 = arith.addf %dot_general3A_5, %add3A : vector<4096x128xf32>
    %swap3A = arith.constant 0 : index
    %swap3A_10 = arith.constant 0 : index
    %swap3A_11 = vector.load %arg4[%swap3A, %swap3A_10] : memref<4096x128xf32, #tpu.memory_space<vmem>>, vector<4096x128xf32>
    tpu.vector_store %arg4[%swap3A, %swap3A_10], %add3A_9 {strides = array<i32>} : memref<4096x128xf32, #tpu.memory_space<vmem>>, vector<4096x128xf32>,
    %reduce_sum3A = arith.constant dense<0.000000e+00> : vector<128xf32>
    %reduce_sum3A_12 = vector.multi_reduction <add>, %add3A_9, %reduce_sum3A [0] : vector<4096x128xf32> to vector<128xf32>
    %broadcast_in_dim3A = vector.shape_cast %reduce_sum3A_12 : vector<128xf32> to vector<1x128xf32>
    %broadcast_in_dim3A_13 = vector.shape_cast %broadcast_in_dim3A : vector<1x128xf32> to vector<1x128xf32>
    %broadcast_in_dim3A_14 = vector.broadcast %broadcast_in_dim3A_13 : vector<1x128xf32> to vector<8x128xf32>
    %swap3A_15 = arith.constant 0 : index
    %swap3A_16 = arith.constant 0 : index
    %swap3A_17 = vector.load %arg5[%swap3A_15, %swap3A_16] : memref<8x128xf32, #tpu.memory_space<vmem>>, vector<8x128xf32>
    tpu.vector_store %arg5[%swap3A_15, %swap3A_16], %broadcast_in_dim3A_14 {strides = array<i32>} : memref<8x128xf32, #tpu.memory_space<vmem>>, vector<8x128xf32>,
    %mul3A = arith.mulf %add3A_9, %add3A_9 : vector<4096x128xf32>
    %reduce_sum3A_18 = arith.constant dense<0.000000e+00> : vector<128xf32>
    %reduce_sum3A_19 = vector.multi_reduction <add>, %mul3A, %reduce_sum3A_18 [0] : vector<4096x128xf32> to vector<128xf32>
    %broadcast_in_dim3A_20 = vector.shape_cast %reduce_sum3A_19 : vector<128xf32> to vector<1x128xf32>
    %broadcast_in_dim3A_21 = vector.shape_cast %broadcast_in_dim3A_20 : vector<1x128xf32> to vector<1x128xf32>
    %broadcast_in_dim3A_22 = vector.broadcast %broadcast_in_dim3A_21 : vector<1x128xf32> to vector<8x128xf32>
    %swap3A_23 = arith.constant 0 : index
    %swap3A_24 = arith.constant 0 : index
    %swap3A_25 = vector.load %arg6[%swap3A_23, %swap3A_24] : memref<8x128xf32, #tpu.memory_space<vmem>>, vector<8x128xf32>
    tpu.vector_store %arg6[%swap3A_23, %swap3A_24], %broadcast_in_dim3A_22 {strides = array<i32>} : memref<8x128xf32, #tpu.memory_space<vmem>>, vector<8x128xf32>,
    return
  }
  func.func @transform_0(%arg0: i32) -> (i32, i32) {
    %c0_i32 = arith.constant 0 : i32
    %c0_i32_0 = arith.constant 0 : i32
    return %arg0, %c0_i32 : i32, i32
  }
  func.func @transform_1(%arg0: i32) -> (i32, i32) {
    %c0_i32 = arith.constant 0 : i32
    %c0_i32_0 = arith.constant 0 : i32
    %c0_i32_1 = arith.constant 0 : i32
    return %c0_i32, %c0_i32_0 : i32, i32
  }
  func.func @transform_2(%arg0: i32) -> (i32, i32) {
    %c0_i32 = arith.constant 0 : i32
    %c0_i32_0 = arith.constant 0 : i32
    %c0_i32_1 = arith.constant 0 : i32
    return %c0_i32, %c0_i32_0 : i32, i32
  }
  func.func @transform_3(%arg0: i32) -> (i32, i32) {
    %c0_i32 = arith.constant 0 : i32
    %c0_i32_0 = arith.constant 0 : i32
    return %arg0, %c0_i32 : i32, i32
  }
  func.func @transform_4(%arg0: i32) -> (i32, i32) {
    %c0_i32 = arith.constant 0 : i32
    %c0_i32_0 = arith.constant 0 : i32
    return %arg0, %c0_i32 : i32, i32
  }
  func.func @transform_5(%arg0: i32) -> (i32, i32) {
    %c0_i32 = arith.constant 0 : i32
    %c0_i32_0 = arith.constant 0 : i32
    return %arg0, %c0_i32 : i32, i32
  }
}

module attributes {stable_mosaic.version = 14 : i64} {
  func.func @_mm_act_kernel(%arg0: i32, %arg1: memref<4096x128xf32, #tpu.memory_space<vmem>>, %arg2: memref<128x128xf32, #tpu.memory_space<vmem>>, %arg3: memref<1x128xf32, #tpu.memory_space<vmem>>, %arg4: memref<1x128xf32, #tpu.memory_space<vmem>>, %arg5: memref<1x128xf32, #tpu.memory_space<vmem>>, %arg6: memref<4096x128xf32, #tpu.memory_space<vmem>>, %arg7: memref<8x128xf32, #tpu.memory_space<vmem>>, %arg8: memref<8x128xf32, #tpu.memory_space<vmem>>) attributes {dimension_semantics = [#tpu.dimension_semantics<arbitrary>], iteration_bounds = array<i64: 32>, scalar_prefetch = 0 : i64, scratch_operands = 0 : i64, tpu.core_type = #tpu.core_type<tc>, window_params = [{transform_indices = @transform_0, window_bounds = array<i64: 4096, 128>}, {pipeline_mode = #tpu.pipeline_mode<synchronous>, transform_indices = @transform_1, window_bounds = array<i64: 128, 128>}, {pipeline_mode = #tpu.pipeline_mode<synchronous>, transform_indices = @transform_2, window_bounds = array<i64: 1, 128>}, {pipeline_mode = #tpu.pipeline_mode<synchronous>, transform_indices = @transform_3, window_bounds = array<i64: 1, 128>}, {pipeline_mode = #tpu.pipeline_mode<synchronous>, transform_indices = @transform_4, window_bounds = array<i64: 1, 128>}, {transform_indices = @transform_5, window_bounds = array<i64: 4096, 128>}, {transform_indices = @transform_6, window_bounds = array<i64: 8, 128>}, {transform_indices = @transform_7, window_bounds = array<i64: 8, 128>}]} {
    %get3A = arith.constant 0 : index
    %get3A_0 = arith.constant 0 : index
    %get3A_1 = vector.load %arg1[%get3A, %get3A_0] : memref<4096x128xf32, #tpu.memory_space<vmem>>, vector<4096x128xf32>
    %get3A_2 = arith.constant 0 : index
    %get3A_3 = arith.constant 0 : index
    %get3A_4 = vector.load %arg4[%get3A_2, %get3A_3] : memref<1x128xf32, #tpu.memory_space<vmem>>, vector<1x128xf32>
    %mul3A = vector.broadcast %get3A_4 : vector<1x128xf32> to vector<4096x128xf32>
    %mul3A_5 = arith.mulf %get3A_1, %mul3A : vector<4096x128xf32>
    %get3A_6 = arith.constant 0 : index
    %get3A_7 = arith.constant 0 : index
    %get3A_8 = vector.load %arg5[%get3A_6, %get3A_7] : memref<1x128xf32, #tpu.memory_space<vmem>>, vector<1x128xf32>
    %add3A = vector.broadcast %get3A_8 : vector<1x128xf32> to vector<4096x128xf32>
    %add3A_9 = arith.addf %mul3A_5, %add3A : vector<4096x128xf32>
    %max3A = arith.constant 0.000000e+00 : f32
    %max3A_10 = vector.broadcast %max3A : f32 to vector<4096x128xf32>
    %max3A_11 = arith.maximumf %add3A_9, %max3A_10 : vector<4096x128xf32>
    %get3A_12 = arith.constant 0 : index
    %get3A_13 = arith.constant 0 : index
    %get3A_14 = vector.load %arg2[%get3A_12, %get3A_13] : memref<128x128xf32, #tpu.memory_space<vmem>>, vector<128x128xf32>
    %transpose3A = tpu.transpose %get3A_14, [1, 0] : vector<128x128xf32> -> vector<128x128xf32>
    %dot_general3A = arith.constant dense<0.000000e+00> : vector<4096x128xf32>
    %dot_general3A_15 = tpu.matmul %max3A_11, %transpose3A, %dot_general3A {dimension_numbers = #tpu.dot_dimension_numbers<[1], [0], [0], [1], [0, 0, 1, 1], [], []>, transpose_lhs_hint = false} : vector<4096x128xf32>, vector<128x128xf32>, vector<4096x128xf32> -> vector<4096x128xf32>
    %get3A_16 = arith.constant 0 : index
    %get3A_17 = arith.constant 0 : index
    %get3A_18 = vector.load %arg3[%get3A_16, %get3A_17] : memref<1x128xf32, #tpu.memory_space<vmem>>, vector<1x128xf32>
    %add3A_19 = vector.broadcast %get3A_18 : vector<1x128xf32> to vector<4096x128xf32>
    %add3A_20 = arith.addf %dot_general3A_15, %add3A_19 : vector<4096x128xf32>
    %swap3A = arith.constant 0 : index
    %swap3A_21 = arith.constant 0 : index
    %swap3A_22 = vector.load %arg6[%swap3A, %swap3A_21] : memref<4096x128xf32, #tpu.memory_space<vmem>>, vector<4096x128xf32>
    tpu.vector_store %arg6[%swap3A, %swap3A_21], %add3A_20 {strides = array<i32>} : memref<4096x128xf32, #tpu.memory_space<vmem>>, vector<4096x128xf32>,
    %reduce_sum3A = arith.constant dense<0.000000e+00> : vector<128xf32>
    %reduce_sum3A_23 = vector.multi_reduction <add>, %add3A_20, %reduce_sum3A [0] : vector<4096x128xf32> to vector<128xf32>
    %broadcast_in_dim3A = vector.shape_cast %reduce_sum3A_23 : vector<128xf32> to vector<1x128xf32>
    %broadcast_in_dim3A_24 = vector.shape_cast %broadcast_in_dim3A : vector<1x128xf32> to vector<1x128xf32>
    %broadcast_in_dim3A_25 = vector.broadcast %broadcast_in_dim3A_24 : vector<1x128xf32> to vector<8x128xf32>
    %swap3A_26 = arith.constant 0 : index
    %swap3A_27 = arith.constant 0 : index
    %swap3A_28 = vector.load %arg7[%swap3A_26, %swap3A_27] : memref<8x128xf32, #tpu.memory_space<vmem>>, vector<8x128xf32>
    tpu.vector_store %arg7[%swap3A_26, %swap3A_27], %broadcast_in_dim3A_25 {strides = array<i32>} : memref<8x128xf32, #tpu.memory_space<vmem>>, vector<8x128xf32>,
    %mul3A_29 = arith.mulf %add3A_20, %add3A_20 : vector<4096x128xf32>
    %reduce_sum3A_30 = arith.constant dense<0.000000e+00> : vector<128xf32>
    %reduce_sum3A_31 = vector.multi_reduction <add>, %mul3A_29, %reduce_sum3A_30 [0] : vector<4096x128xf32> to vector<128xf32>
    %broadcast_in_dim3A_32 = vector.shape_cast %reduce_sum3A_31 : vector<128xf32> to vector<1x128xf32>
    %broadcast_in_dim3A_33 = vector.shape_cast %broadcast_in_dim3A_32 : vector<1x128xf32> to vector<1x128xf32>
    %broadcast_in_dim3A_34 = vector.broadcast %broadcast_in_dim3A_33 : vector<1x128xf32> to vector<8x128xf32>
    %swap3A_35 = arith.constant 0 : index
    %swap3A_36 = arith.constant 0 : index
    %swap3A_37 = vector.load %arg8[%swap3A_35, %swap3A_36] : memref<8x128xf32, #tpu.memory_space<vmem>>, vector<8x128xf32>
    tpu.vector_store %arg8[%swap3A_35, %swap3A_36], %broadcast_in_dim3A_34 {strides = array<i32>} : memref<8x128xf32, #tpu.memory_space<vmem>>, vector<8x128xf32>,
    return
  }
  func.func @transform_0(%arg0: i32) -> (i32, i32) {
    %c0_i32 = arith.constant 0 : i32
    %c0_i32_0 = arith.constant 0 : i32
    return %arg0, %c0_i32 : i32, i32
  }
  func.func @transform_1(%arg0: i32) -> (i32, i32) {
    %c0_i32 = arith.constant 0 : i32
    %c0_i32_0 = arith.constant 0 : i32
    %c0_i32_1 = arith.constant 0 : i32
    return %c0_i32, %c0_i32_0 : i32, i32
  }
  func.func @transform_2(%arg0: i32) -> (i32, i32) {
    %c0_i32 = arith.constant 0 : i32
    %c0_i32_0 = arith.constant 0 : i32
    %c0_i32_1 = arith.constant 0 : i32
    return %c0_i32, %c0_i32_0 : i32, i32
  }
  func.func @transform_3(%arg0: i32) -> (i32, i32) {
    %c0_i32 = arith.constant 0 : i32
    %c0_i32_0 = arith.constant 0 : i32
    %c0_i32_1 = arith.constant 0 : i32
    return %c0_i32, %c0_i32_0 : i32, i32
  }
  func.func @transform_4(%arg0: i32) -> (i32, i32) {
    %c0_i32 = arith.constant 0 : i32
    %c0_i32_0 = arith.constant 0 : i32
    %c0_i32_1 = arith.constant 0 : i32
    return %c0_i32, %c0_i32_0 : i32, i32
  }
  func.func @transform_5(%arg0: i32) -> (i32, i32) {
    %c0_i32 = arith.constant 0 : i32
    %c0_i32_0 = arith.constant 0 : i32
    return %arg0, %c0_i32 : i32, i32
  }
  func.func @transform_6(%arg0: i32) -> (i32, i32) {
    %c0_i32 = arith.constant 0 : i32
    %c0_i32_0 = arith.constant 0 : i32
    return %arg0, %c0_i32 : i32, i32
  }
  func.func @transform_7(%arg0: i32) -> (i32, i32) {
    %c0_i32 = arith.constant 0 : i32
    %c0_i32_0 = arith.constant 0 : i32
    return %arg0, %c0_i32 : i32, i32
  }
}

module attributes {stable_mosaic.version = 14 : i64} {
  func.func @_mm_act_kernel(%arg0: i32, %arg1: memref<4096x128xf32, #tpu.memory_space<vmem>>, %arg2: memref<256x128xf32, #tpu.memory_space<vmem>>, %arg3: memref<1x256xf32, #tpu.memory_space<vmem>>, %arg4: memref<1x128xf32, #tpu.memory_space<vmem>>, %arg5: memref<1x128xf32, #tpu.memory_space<vmem>>, %arg6: memref<4096x256xf32, #tpu.memory_space<vmem>>, %arg7: memref<8x256xf32, #tpu.memory_space<vmem>>, %arg8: memref<8x256xf32, #tpu.memory_space<vmem>>) attributes {dimension_semantics = [#tpu.dimension_semantics<arbitrary>], iteration_bounds = array<i64: 32>, scalar_prefetch = 0 : i64, scratch_operands = 0 : i64, tpu.core_type = #tpu.core_type<tc>, window_params = [{transform_indices = @transform_0, window_bounds = array<i64: 4096, 128>}, {pipeline_mode = #tpu.pipeline_mode<synchronous>, transform_indices = @transform_1, window_bounds = array<i64: 256, 128>}, {pipeline_mode = #tpu.pipeline_mode<synchronous>, transform_indices = @transform_2, window_bounds = array<i64: 1, 256>}, {pipeline_mode = #tpu.pipeline_mode<synchronous>, transform_indices = @transform_3, window_bounds = array<i64: 1, 128>}, {pipeline_mode = #tpu.pipeline_mode<synchronous>, transform_indices = @transform_4, window_bounds = array<i64: 1, 128>}, {transform_indices = @transform_5, window_bounds = array<i64: 4096, 256>}, {transform_indices = @transform_6, window_bounds = array<i64: 8, 256>}, {transform_indices = @transform_7, window_bounds = array<i64: 8, 256>}]} {
    %get3A = arith.constant 0 : index
    %get3A_0 = arith.constant 0 : index
    %get3A_1 = vector.load %arg1[%get3A, %get3A_0] : memref<4096x128xf32, #tpu.memory_space<vmem>>, vector<4096x128xf32>
    %get3A_2 = arith.constant 0 : index
    %get3A_3 = arith.constant 0 : index
    %get3A_4 = vector.load %arg4[%get3A_2, %get3A_3] : memref<1x128xf32, #tpu.memory_space<vmem>>, vector<1x128xf32>
    %mul3A = vector.broadcast %get3A_4 : vector<1x128xf32> to vector<4096x128xf32>
    %mul3A_5 = arith.mulf %get3A_1, %mul3A : vector<4096x128xf32>
    %get3A_6 = arith.constant 0 : index
    %get3A_7 = arith.constant 0 : index
    %get3A_8 = vector.load %arg5[%get3A_6, %get3A_7] : memref<1x128xf32, #tpu.memory_space<vmem>>, vector<1x128xf32>
    %add3A = vector.broadcast %get3A_8 : vector<1x128xf32> to vector<4096x128xf32>
    %add3A_9 = arith.addf %mul3A_5, %add3A : vector<4096x128xf32>
    %max3A = arith.constant 0.000000e+00 : f32
    %max3A_10 = vector.broadcast %max3A : f32 to vector<4096x128xf32>
    %max3A_11 = arith.maximumf %add3A_9, %max3A_10 : vector<4096x128xf32>
    %get3A_12 = arith.constant 0 : index
    %get3A_13 = arith.constant 0 : index
    %get3A_14 = vector.load %arg2[%get3A_12, %get3A_13] : memref<256x128xf32, #tpu.memory_space<vmem>>, vector<256x128xf32>
    %transpose3A = tpu.transpose %get3A_14, [1, 0] : vector<256x128xf32> -> vector<128x256xf32>
    %dot_general3A = arith.constant dense<0.000000e+00> : vector<4096x256xf32>
    %dot_general3A_15 = tpu.matmul %max3A_11, %transpose3A, %dot_general3A {dimension_numbers = #tpu.dot_dimension_numbers<[1], [0], [0], [1], [0, 0, 1, 1], [], []>, transpose_lhs_hint = false} : vector<4096x128xf32>, vector<128x256xf32>, vector<4096x256xf32> -> vector<4096x256xf32>
    %get3A_16 = arith.constant 0 : index
    %get3A_17 = arith.constant 0 : index
    %get3A_18 = vector.load %arg3[%get3A_16, %get3A_17] : memref<1x256xf32, #tpu.memory_space<vmem>>, vector<1x256xf32>
    %add3A_19 = vector.broadcast %get3A_18 : vector<1x256xf32> to vector<4096x256xf32>
    %add3A_20 = arith.addf %dot_general3A_15, %add3A_19 : vector<4096x256xf32>
    %swap3A = arith.constant 0 : index
    %swap3A_21 = arith.constant 0 : index
    %swap3A_22 = vector.load %arg6[%swap3A, %swap3A_21] : memref<4096x256xf32, #tpu.memory_space<vmem>>, vector<4096x256xf32>
    tpu.vector_store %arg6[%swap3A, %swap3A_21], %add3A_20 {strides = array<i32>} : memref<4096x256xf32, #tpu.memory_space<vmem>>, vector<4096x256xf32>,
    %reduce_sum3A = arith.constant dense<0.000000e+00> : vector<256xf32>
    %reduce_sum3A_23 = vector.multi_reduction <add>, %add3A_20, %reduce_sum3A [0] : vector<4096x256xf32> to vector<256xf32>
    %broadcast_in_dim3A = vector.shape_cast %reduce_sum3A_23 : vector<256xf32> to vector<1x256xf32>
    %broadcast_in_dim3A_24 = vector.shape_cast %broadcast_in_dim3A : vector<1x256xf32> to vector<1x256xf32>
    %broadcast_in_dim3A_25 = vector.broadcast %broadcast_in_dim3A_24 : vector<1x256xf32> to vector<8x256xf32>
    %swap3A_26 = arith.constant 0 : index
    %swap3A_27 = arith.constant 0 : index
    %swap3A_28 = vector.load %arg7[%swap3A_26, %swap3A_27] : memref<8x256xf32, #tpu.memory_space<vmem>>, vector<8x256xf32>
    tpu.vector_store %arg7[%swap3A_26, %swap3A_27], %broadcast_in_dim3A_25 {strides = array<i32>} : memref<8x256xf32, #tpu.memory_space<vmem>>, vector<8x256xf32>,
    %mul3A_29 = arith.mulf %add3A_20, %add3A_20 : vector<4096x256xf32>
    %reduce_sum3A_30 = arith.constant dense<0.000000e+00> : vector<256xf32>
    %reduce_sum3A_31 = vector.multi_reduction <add>, %mul3A_29, %reduce_sum3A_30 [0] : vector<4096x256xf32> to vector<256xf32>
    %broadcast_in_dim3A_32 = vector.shape_cast %reduce_sum3A_31 : vector<256xf32> to vector<1x256xf32>
    %broadcast_in_dim3A_33 = vector.shape_cast %broadcast_in_dim3A_32 : vector<1x256xf32> to vector<1x256xf32>
    %broadcast_in_dim3A_34 = vector.broadcast %broadcast_in_dim3A_33 : vector<1x256xf32> to vector<8x256xf32>
    %swap3A_35 = arith.constant 0 : index
    %swap3A_36 = arith.constant 0 : index
    %swap3A_37 = vector.load %arg8[%swap3A_35, %swap3A_36] : memref<8x256xf32, #tpu.memory_space<vmem>>, vector<8x256xf32>
    tpu.vector_store %arg8[%swap3A_35, %swap3A_36], %broadcast_in_dim3A_34 {strides = array<i32>} : memref<8x256xf32, #tpu.memory_space<vmem>>, vector<8x256xf32>,
    return
  }
  func.func @transform_0(%arg0: i32) -> (i32, i32) {
    %c0_i32 = arith.constant 0 : i32
    %c0_i32_0 = arith.constant 0 : i32
    return %arg0, %c0_i32 : i32, i32
  }
  func.func @transform_1(%arg0: i32) -> (i32, i32) {
    %c0_i32 = arith.constant 0 : i32
    %c0_i32_0 = arith.constant 0 : i32
    %c0_i32_1 = arith.constant 0 : i32
    return %c0_i32, %c0_i32_0 : i32, i32
  }
  func.func @transform_2(%arg0: i32) -> (i32, i32) {
    %c0_i32 = arith.constant 0 : i32
    %c0_i32_0 = arith.constant 0 : i32
    %c0_i32_1 = arith.constant 0 : i32
    return %c0_i32, %c0_i32_0 : i32, i32
  }
  func.func @transform_3(%arg0: i32) -> (i32, i32) {
    %c0_i32 = arith.constant 0 : i32
    %c0_i32_0 = arith.constant 0 : i32
    %c0_i32_1 = arith.constant 0 : i32
    return %c0_i32, %c0_i32_0 : i32, i32
  }
  func.func @transform_4(%arg0: i32) -> (i32, i32) {
    %c0_i32 = arith.constant 0 : i32
    %c0_i32_0 = arith.constant 0 : i32
    %c0_i32_1 = arith.constant 0 : i32
    return %c0_i32, %c0_i32_0 : i32, i32
  }
  func.func @transform_5(%arg0: i32) -> (i32, i32) {
    %c0_i32 = arith.constant 0 : i32
    %c0_i32_0 = arith.constant 0 : i32
    return %arg0, %c0_i32 : i32, i32
  }
  func.func @transform_6(%arg0: i32) -> (i32, i32) {
    %c0_i32 = arith.constant 0 : i32
    %c0_i32_0 = arith.constant 0 : i32
    return %arg0, %c0_i32 : i32, i32
  }
  func.func @transform_7(%arg0: i32) -> (i32, i32) {
    %c0_i32 = arith.constant 0 : i32
    %c0_i32_0 = arith.constant 0 : i32
    return %arg0, %c0_i32 : i32, i32
  }
}

module attributes {stable_mosaic.version = 14 : i64} {
  func.func @_arm_kernel(%arg0: i32, %arg1: memref<256x32x128xf32, #tpu.memory_space<vmem>>, %arg2: memref<1x1x128xf32, #tpu.memory_space<vmem>>, %arg3: memref<1x1x128xf32, #tpu.memory_space<vmem>>, %arg4: memref<256x128xf32, #tpu.memory_space<vmem>>) attributes {dimension_semantics = [#tpu.dimension_semantics<arbitrary>], iteration_bounds = array<i64: 4>, scalar_prefetch = 0 : i64, scratch_operands = 0 : i64, tpu.core_type = #tpu.core_type<tc>, window_params = [{transform_indices = @transform_0, window_bounds = array<i64: 256, 32, 128>}, {pipeline_mode = #tpu.pipeline_mode<synchronous>, transform_indices = @transform_1, window_bounds = array<i64: 1, 1, 128>}, {pipeline_mode = #tpu.pipeline_mode<synchronous>, transform_indices = @transform_2, window_bounds = array<i64: 1, 1, 128>}, {transform_indices = @transform_3, window_bounds = array<i64: 256, 128>}]} {
    %get3A = arith.constant 0 : index
    %get3A_0 = arith.constant 0 : index
    %get3A_1 = arith.constant 0 : index
    %get3A_2 = vector.load %arg1[%get3A, %get3A_0, %get3A_1] : memref<256x32x128xf32, #tpu.memory_space<vmem>>, vector<256x32x128xf32>
    %get3A_3 = arith.constant 0 : index
    %get3A_4 = arith.constant 0 : index
    %get3A_5 = arith.constant 0 : index
    %get3A_6 = vector.load %arg2[%get3A_3, %get3A_4, %get3A_5] : memref<1x1x128xf32, #tpu.memory_space<vmem>>, vector<1x1x128xf32>
    %mul3A = vector.broadcast %get3A_6 : vector<1x1x128xf32> to vector<256x32x128xf32>
    %mul3A_7 = arith.mulf %get3A_2, %mul3A : vector<256x32x128xf32>
    %get3A_8 = arith.constant 0 : index
    %get3A_9 = arith.constant 0 : index
    %get3A_10 = arith.constant 0 : index
    %get3A_11 = vector.load %arg3[%get3A_8, %get3A_9, %get3A_10] : memref<1x1x128xf32, #tpu.memory_space<vmem>>, vector<1x1x128xf32>
    %add3A = vector.broadcast %get3A_11 : vector<1x1x128xf32> to vector<256x32x128xf32>
    %add3A_12 = arith.addf %mul3A_7, %add3A : vector<256x32x128xf32>
    %max3A = arith.constant 0.000000e+00 : f32
    %max3A_13 = vector.broadcast %max3A : f32 to vector<256x32x128xf32>
    %max3A_14 = arith.maximumf %add3A_12, %max3A_13 : vector<256x32x128xf32>
    %reduce_max3A = arith.constant dense<0xFF800000> : vector<256x128xf32>
    %reduce_max3A_15 = vector.multi_reduction <maximumf>, %max3A_14, %reduce_max3A [1] : vector<256x32x128xf32> to vector<256x128xf32>
    %swap3A = arith.constant 0 : index
    %swap3A_16 = arith.constant 0 : index
    %swap3A_17 = vector.load %arg4[%swap3A, %swap3A_16] : memref<256x128xf32, #tpu.memory_space<vmem>>, vector<256x128xf32>
    tpu.vector_store %arg4[%swap3A, %swap3A_16], %reduce_max3A_15 {strides = array<i32>} : memref<256x128xf32, #tpu.memory_space<vmem>>, vector<256x128xf32>,
    return
  }
  func.func @transform_0(%arg0: i32) -> (i32, i32, i32) {
    %c0_i32 = arith.constant 0 : i32
    %c0_i32_0 = arith.constant 0 : i32
    %c0_i32_1 = arith.constant 0 : i32
    return %arg0, %c0_i32, %c0_i32_0 : i32, i32, i32
  }
  func.func @transform_1(%arg0: i32) -> (i32, i32, i32) {
    %c0_i32 = arith.constant 0 : i32
    %c0_i32_0 = arith.constant 0 : i32
    %c0_i32_1 = arith.constant 0 : i32
    %c0_i32_2 = arith.constant 0 : i32
    return %c0_i32, %c0_i32_0, %c0_i32_1 : i32, i32, i32
  }
  func.func @transform_2(%arg0: i32) -> (i32, i32, i32) {
    %c0_i32 = arith.constant 0 : i32
    %c0_i32_0 = arith.constant 0 : i32
    %c0_i32_1 = arith.constant 0 : i32
    %c0_i32_2 = arith.constant 0 : i32
    return %c0_i32, %c0_i32_0, %c0_i32_1 : i32, i32, i32
  }
  func.func @transform_3(%arg0: i32) -> (i32, i32) {
    %c0_i32 = arith.constant 0 : i32
    %c0_i32_0 = arith.constant 0 : i32
    return %arg0, %c0_i32 : i32, i32
  }
}

module attributes {stable_mosaic.version = 14 : i64} {
  func.func @_arm_kernel(%arg0: i32, %arg1: memref<64x64x256xf32, #tpu.memory_space<vmem>>, %arg2: memref<1x1x256xf32, #tpu.memory_space<vmem>>, %arg3: memref<1x1x256xf32, #tpu.memory_space<vmem>>, %arg4: memref<64x256xf32, #tpu.memory_space<vmem>>) attributes {dimension_semantics = [#tpu.dimension_semantics<arbitrary>], iteration_bounds = array<i64: 16>, scalar_prefetch = 0 : i64, scratch_operands = 0 : i64, tpu.core_type = #tpu.core_type<tc>, window_params = [{transform_indices = @transform_0, window_bounds = array<i64: 64, 64, 256>}, {pipeline_mode = #tpu.pipeline_mode<synchronous>, transform_indices = @transform_1, window_bounds = array<i64: 1, 1, 256>}, {pipeline_mode = #tpu.pipeline_mode<synchronous>, transform_indices = @transform_2, window_bounds = array<i64: 1, 1, 256>}, {transform_indices = @transform_3, window_bounds = array<i64: 64, 256>}]} {
    %get3A = arith.constant 0 : index
    %get3A_0 = arith.constant 0 : index
    %get3A_1 = arith.constant 0 : index
    %get3A_2 = vector.load %arg1[%get3A, %get3A_0, %get3A_1] : memref<64x64x256xf32, #tpu.memory_space<vmem>>, vector<64x64x256xf32>
    %get3A_3 = arith.constant 0 : index
    %get3A_4 = arith.constant 0 : index
    %get3A_5 = arith.constant 0 : index
    %get3A_6 = vector.load %arg2[%get3A_3, %get3A_4, %get3A_5] : memref<1x1x256xf32, #tpu.memory_space<vmem>>, vector<1x1x256xf32>
    %mul3A = vector.broadcast %get3A_6 : vector<1x1x256xf32> to vector<64x64x256xf32>
    %mul3A_7 = arith.mulf %get3A_2, %mul3A : vector<64x64x256xf32>
    %get3A_8 = arith.constant 0 : index
    %get3A_9 = arith.constant 0 : index
    %get3A_10 = arith.constant 0 : index
    %get3A_11 = vector.load %arg3[%get3A_8, %get3A_9, %get3A_10] : memref<1x1x256xf32, #tpu.memory_space<vmem>>, vector<1x1x256xf32>
    %add3A = vector.broadcast %get3A_11 : vector<1x1x256xf32> to vector<64x64x256xf32>
    %add3A_12 = arith.addf %mul3A_7, %add3A : vector<64x64x256xf32>
    %max3A = arith.constant 0.000000e+00 : f32
    %max3A_13 = vector.broadcast %max3A : f32 to vector<64x64x256xf32>
    %max3A_14 = arith.maximumf %add3A_12, %max3A_13 : vector<64x64x256xf32>
    %reduce_max3A = arith.constant dense<0xFF800000> : vector<64x256xf32>
    %reduce_max3A_15 = vector.multi_reduction <maximumf>, %max3A_14, %reduce_max3A [1] : vector<64x64x256xf32> to vector<64x256xf32>
    %swap3A = arith.constant 0 : index
    %swap3A_16 = arith.constant 0 : index
    %swap3A_17 = vector.load %arg4[%swap3A, %swap3A_16] : memref<64x256xf32, #tpu.memory_space<vmem>>, vector<64x256xf32>
    tpu.vector_store %arg4[%swap3A, %swap3A_16], %reduce_max3A_15 {strides = array<i32>} : memref<64x256xf32, #tpu.memory_space<vmem>>, vector<64x256xf32>,
    return
  }
  func.func @transform_0(%arg0: i32) -> (i32, i32, i32) {
    %c0_i32 = arith.constant 0 : i32
    %c0_i32_0 = arith.constant 0 : i32
    %c0_i32_1 = arith.constant 0 : i32
    return %arg0, %c0_i32, %c0_i32_0 : i32, i32, i32
  }
  func.func @transform_1(%arg0: i32) -> (i32, i32, i32) {
    %c0_i32 = arith.constant 0 : i32
    %c0_i32_0 = arith.constant 0 : i32
    %c0_i32_1 = arith.constant 0 : i32
    %c0_i32_2 = arith.constant 0 : i32
    return %c0_i32, %c0_i32_0, %c0_i32_1 : i32, i32, i32
  }
  func.func @transform_2(%arg0: i32) -> (i32, i32, i32) {
    %c0_i32 = arith.constant 0 : i32
    %c0_i32_0 = arith.constant 0 : i32
    %c0_i32_1 = arith.constant 0 : i32
    %c0_i32_2 = arith.constant 0 : i32
    return %c0_i32, %c0_i32_0, %c0_i32_1 : i32, i32, i32
  }
  func.func @transform_3(%arg0: i32) -> (i32, i32) {
    %c0_i32 = arith.constant 0 : i32
    %c0_i32_0 = arith.constant 0 : i32
    return %arg0, %c0_i32 : i32, i32
  }
}

module attributes {stable_mosaic.version = 14 : i64} {
  func.func @_arm_kernel(%arg0: i32, %arg1: memref<32x128x256xf32, #tpu.memory_space<vmem>>, %arg2: memref<1x1x256xf32, #tpu.memory_space<vmem>>, %arg3: memref<1x1x256xf32, #tpu.memory_space<vmem>>, %arg4: memref<32x256xf32, #tpu.memory_space<vmem>>) attributes {dimension_semantics = [#tpu.dimension_semantics<arbitrary>], iteration_bounds = array<i64: 32>, scalar_prefetch = 0 : i64, scratch_operands = 0 : i64, tpu.core_type = #tpu.core_type<tc>, window_params = [{transform_indices = @transform_0, window_bounds = array<i64: 32, 128, 256>}, {pipeline_mode = #tpu.pipeline_mode<synchronous>, transform_indices = @transform_1, window_bounds = array<i64: 1, 1, 256>}, {pipeline_mode = #tpu.pipeline_mode<synchronous>, transform_indices = @transform_2, window_bounds = array<i64: 1, 1, 256>}, {transform_indices = @transform_3, window_bounds = array<i64: 32, 256>}]} {
    %get3A = arith.constant 0 : index
    %get3A_0 = arith.constant 0 : index
    %get3A_1 = arith.constant 0 : index
    %get3A_2 = vector.load %arg1[%get3A, %get3A_0, %get3A_1] : memref<32x128x256xf32, #tpu.memory_space<vmem>>, vector<32x128x256xf32>
    %get3A_3 = arith.constant 0 : index
    %get3A_4 = arith.constant 0 : index
    %get3A_5 = arith.constant 0 : index
    %get3A_6 = vector.load %arg2[%get3A_3, %get3A_4, %get3A_5] : memref<1x1x256xf32, #tpu.memory_space<vmem>>, vector<1x1x256xf32>
    %mul3A = vector.broadcast %get3A_6 : vector<1x1x256xf32> to vector<32x128x256xf32>
    %mul3A_7 = arith.mulf %get3A_2, %mul3A : vector<32x128x256xf32>
    %get3A_8 = arith.constant 0 : index
    %get3A_9 = arith.constant 0 : index
    %get3A_10 = arith.constant 0 : index
    %get3A_11 = vector.load %arg3[%get3A_8, %get3A_9, %get3A_10] : memref<1x1x256xf32, #tpu.memory_space<vmem>>, vector<1x1x256xf32>
    %add3A = vector.broadcast %get3A_11 : vector<1x1x256xf32> to vector<32x128x256xf32>
    %add3A_12 = arith.addf %mul3A_7, %add3A : vector<32x128x256xf32>
    %max3A = arith.constant 0.000000e+00 : f32
    %max3A_13 = vector.broadcast %max3A : f32 to vector<32x128x256xf32>
    %max3A_14 = arith.maximumf %add3A_12, %max3A_13 : vector<32x128x256xf32>
    %reduce_max3A = arith.constant dense<0xFF800000> : vector<32x256xf32>
    %reduce_max3A_15 = vector.multi_reduction <maximumf>, %max3A_14, %reduce_max3A [1] : vector<32x128x256xf32> to vector<32x256xf32>
    %swap3A = arith.constant 0 : index
    %swap3A_16 = arith.constant 0 : index
    %swap3A_17 = vector.load %arg4[%swap3A, %swap3A_16] : memref<32x256xf32, #tpu.memory_space<vmem>>, vector<32x256xf32>
    tpu.vector_store %arg4[%swap3A, %swap3A_16], %reduce_max3A_15 {strides = array<i32>} : memref<32x256xf32, #tpu.memory_space<vmem>>, vector<32x256xf32>,
    return
  }
  func.func @transform_0(%arg0: i32) -> (i32, i32, i32) {
    %c0_i32 = arith.constant 0 : i32
    %c0_i32_0 = arith.constant 0 : i32
    %c0_i32_1 = arith.constant 0 : i32
    return %arg0, %c0_i32, %c0_i32_0 : i32, i32, i32
  }
  func.func @transform_1(%arg0: i32) -> (i32, i32, i32) {
    %c0_i32 = arith.constant 0 : i32
    %c0_i32_0 = arith.constant 0 : i32
    %c0_i32_1 = arith.constant 0 : i32
    %c0_i32_2 = arith.constant 0 : i32
    return %c0_i32, %c0_i32_0, %c0_i32_1 : i32, i32, i32
  }
  func.func @transform_2(%arg0: i32) -> (i32, i32, i32) {
    %c0_i32 = arith.constant 0 : i32
    %c0_i32_0 = arith.constant 0 : i32
    %c0_i32_1 = arith.constant 0 : i32
    %c0_i32_2 = arith.constant 0 : i32
    return %c0_i32, %c0_i32_0, %c0_i32_1 : i32, i32, i32
  }
  func.func @transform_3(%arg0: i32) -> (i32, i32) {
    %c0_i32 = arith.constant 0 : i32
    %c0_i32_0 = arith.constant 0 : i32
    return %arg0, %c0_i32 : i32, i32
  }
}

module attributes {stable_mosaic.version = 14 : i64} {
  func.func @_mm_kernel(%arg0: i32, %arg1: memref<1024x643xf32, #tpu.memory_space<vmem>>, %arg2: memref<256x643xf32, #tpu.memory_space<vmem>>, %arg3: memref<1x256xf32, #tpu.memory_space<vmem>>, %arg4: memref<1024x256xf32, #tpu.memory_space<vmem>>, %arg5: memref<8x256xf32, #tpu.memory_space<vmem>>, %arg6: memref<8x256xf32, #tpu.memory_space<vmem>>) attributes {dimension_semantics = [#tpu.dimension_semantics<arbitrary>], iteration_bounds = array<i64: 1>, scalar_prefetch = 0 : i64, scratch_operands = 0 : i64, tpu.core_type = #tpu.core_type<tc>, window_params = [{transform_indices = @transform_0, window_bounds = array<i64: 1024, 643>}, {pipeline_mode = #tpu.pipeline_mode<synchronous>, transform_indices = @transform_1, window_bounds = array<i64: 256, 643>}, {pipeline_mode = #tpu.pipeline_mode<synchronous>, transform_indices = @transform_2, window_bounds = array<i64: 1, 256>}, {transform_indices = @transform_3, window_bounds = array<i64: 1024, 256>}, {transform_indices = @transform_4, window_bounds = array<i64: 8, 256>}, {transform_indices = @transform_5, window_bounds = array<i64: 8, 256>}]} {
    %get3A = arith.constant 0 : index
    %get3A_0 = arith.constant 0 : index
    %get3A_1 = vector.load %arg1[%get3A, %get3A_0] : memref<1024x643xf32, #tpu.memory_space<vmem>>, vector<1024x643xf32>
    %get3A_2 = arith.constant 0 : index
    %get3A_3 = arith.constant 0 : index
    %get3A_4 = vector.load %arg2[%get3A_2, %get3A_3] : memref<256x643xf32, #tpu.memory_space<vmem>>, vector<256x643xf32>
    %transpose3A = tpu.transpose %get3A_4, [1, 0] : vector<256x643xf32> -> vector<643x256xf32>
    %dot_general3A = arith.constant dense<0.000000e+00> : vector<1024x256xf32>
    %dot_general3A_5 = tpu.matmul %get3A_1, %transpose3A, %dot_general3A {dimension_numbers = #tpu.dot_dimension_numbers<[1], [0], [0], [1], [0, 0, 1, 1], [], []>, transpose_lhs_hint = false} : vector<1024x643xf32>, vector<643x256xf32>, vector<1024x256xf32> -> vector<1024x256xf32>
    %get3A_6 = arith.constant 0 : index
    %get3A_7 = arith.constant 0 : index
    %get3A_8 = vector.load %arg3[%get3A_6, %get3A_7] : memref<1x256xf32, #tpu.memory_space<vmem>>, vector<1x256xf32>
    %add3A = vector.broadcast %get3A_8 : vector<1x256xf32> to vector<1024x256xf32>
    %add3A_9 = arith.addf %dot_general3A_5, %add3A : vector<1024x256xf32>
    %swap3A = arith.constant 0 : index
    %swap3A_10 = arith.constant 0 : index
    %swap3A_11 = vector.load %arg4[%swap3A, %swap3A_10] : memref<1024x256xf32, #tpu.memory_space<vmem>>, vector<1024x256xf32>
    tpu.vector_store %arg4[%swap3A, %swap3A_10], %add3A_9 {strides = array<i32>} : memref<1024x256xf32, #tpu.memory_space<vmem>>, vector<1024x256xf32>,
    %reduce_sum3A = arith.constant dense<0.000000e+00> : vector<256xf32>
    %reduce_sum3A_12 = vector.multi_reduction <add>, %add3A_9, %reduce_sum3A [0] : vector<1024x256xf32> to vector<256xf32>
    %broadcast_in_dim3A = vector.shape_cast %reduce_sum3A_12 : vector<256xf32> to vector<1x256xf32>
    %broadcast_in_dim3A_13 = vector.shape_cast %broadcast_in_dim3A : vector<1x256xf32> to vector<1x256xf32>
    %broadcast_in_dim3A_14 = vector.broadcast %broadcast_in_dim3A_13 : vector<1x256xf32> to vector<8x256xf32>
    %swap3A_15 = arith.constant 0 : index
    %swap3A_16 = arith.constant 0 : index
    %swap3A_17 = vector.load %arg5[%swap3A_15, %swap3A_16] : memref<8x256xf32, #tpu.memory_space<vmem>>, vector<8x256xf32>
    tpu.vector_store %arg5[%swap3A_15, %swap3A_16], %broadcast_in_dim3A_14 {strides = array<i32>} : memref<8x256xf32, #tpu.memory_space<vmem>>, vector<8x256xf32>,
    %mul3A = arith.mulf %add3A_9, %add3A_9 : vector<1024x256xf32>
    %reduce_sum3A_18 = arith.constant dense<0.000000e+00> : vector<256xf32>
    %reduce_sum3A_19 = vector.multi_reduction <add>, %mul3A, %reduce_sum3A_18 [0] : vector<1024x256xf32> to vector<256xf32>
    %broadcast_in_dim3A_20 = vector.shape_cast %reduce_sum3A_19 : vector<256xf32> to vector<1x256xf32>
    %broadcast_in_dim3A_21 = vector.shape_cast %broadcast_in_dim3A_20 : vector<1x256xf32> to vector<1x256xf32>
    %broadcast_in_dim3A_22 = vector.broadcast %broadcast_in_dim3A_21 : vector<1x256xf32> to vector<8x256xf32>
    %swap3A_23 = arith.constant 0 : index
    %swap3A_24 = arith.constant 0 : index
    %swap3A_25 = vector.load %arg6[%swap3A_23, %swap3A_24] : memref<8x256xf32, #tpu.memory_space<vmem>>, vector<8x256xf32>
    tpu.vector_store %arg6[%swap3A_23, %swap3A_24], %broadcast_in_dim3A_22 {strides = array<i32>} : memref<8x256xf32, #tpu.memory_space<vmem>>, vector<8x256xf32>,
    return
  }
  func.func @transform_0(%arg0: i32) -> (i32, i32) {
    %c0_i32 = arith.constant 0 : i32
    %c0_i32_0 = arith.constant 0 : i32
    return %arg0, %c0_i32 : i32, i32
  }
  func.func @transform_1(%arg0: i32) -> (i32, i32) {
    %c0_i32 = arith.constant 0 : i32
    %c0_i32_0 = arith.constant 0 : i32
    %c0_i32_1 = arith.constant 0 : i32
    return %c0_i32, %c0_i32_0 : i32, i32
  }
  func.func @transform_2(%arg0: i32) -> (i32, i32) {
    %c0_i32 = arith.constant 0 : i32
    %c0_i32_0 = arith.constant 0 : i32
    %c0_i32_1 = arith.constant 0 : i32
    return %c0_i32, %c0_i32_0 : i32, i32
  }
  func.func @transform_3(%arg0: i32) -> (i32, i32) {
    %c0_i32 = arith.constant 0 : i32
    %c0_i32_0 = arith.constant 0 : i32
    return %arg0, %c0_i32 : i32, i32
  }
  func.func @transform_4(%arg0: i32) -> (i32, i32) {
    %c0_i32 = arith.constant 0 : i32
    %c0_i32_0 = arith.constant 0 : i32
    return %arg0, %c0_i32 : i32, i32
  }
  func.func @transform_5(%arg0: i32) -> (i32, i32) {
    %c0_i32 = arith.constant 0 : i32
    %c0_i32_0 = arith.constant 0 : i32
    return %arg0, %c0_i32 : i32, i32
  }
}

module attributes {stable_mosaic.version = 14 : i64} {
  func.func @_mm_act_kernel(%arg0: i32, %arg1: memref<1024x256xf32, #tpu.memory_space<vmem>>, %arg2: memref<512x256xf32, #tpu.memory_space<vmem>>, %arg3: memref<1x512xf32, #tpu.memory_space<vmem>>, %arg4: memref<1x256xf32, #tpu.memory_space<vmem>>, %arg5: memref<1x256xf32, #tpu.memory_space<vmem>>, %arg6: memref<1024x512xf32, #tpu.memory_space<vmem>>, %arg7: memref<8x512xf32, #tpu.memory_space<vmem>>, %arg8: memref<8x512xf32, #tpu.memory_space<vmem>>) attributes {dimension_semantics = [#tpu.dimension_semantics<arbitrary>], iteration_bounds = array<i64: 1>, scalar_prefetch = 0 : i64, scratch_operands = 0 : i64, tpu.core_type = #tpu.core_type<tc>, window_params = [{transform_indices = @transform_0, window_bounds = array<i64: 1024, 256>}, {pipeline_mode = #tpu.pipeline_mode<synchronous>, transform_indices = @transform_1, window_bounds = array<i64: 512, 256>}, {pipeline_mode = #tpu.pipeline_mode<synchronous>, transform_indices = @transform_2, window_bounds = array<i64: 1, 512>}, {pipeline_mode = #tpu.pipeline_mode<synchronous>, transform_indices = @transform_3, window_bounds = array<i64: 1, 256>}, {pipeline_mode = #tpu.pipeline_mode<synchronous>, transform_indices = @transform_4, window_bounds = array<i64: 1, 256>}, {transform_indices = @transform_5, window_bounds = array<i64: 1024, 512>}, {transform_indices = @transform_6, window_bounds = array<i64: 8, 512>}, {transform_indices = @transform_7, window_bounds = array<i64: 8, 512>}]} {
    %get3A = arith.constant 0 : index
    %get3A_0 = arith.constant 0 : index
    %get3A_1 = vector.load %arg1[%get3A, %get3A_0] : memref<1024x256xf32, #tpu.memory_space<vmem>>, vector<1024x256xf32>
    %get3A_2 = arith.constant 0 : index
    %get3A_3 = arith.constant 0 : index
    %get3A_4 = vector.load %arg4[%get3A_2, %get3A_3] : memref<1x256xf32, #tpu.memory_space<vmem>>, vector<1x256xf32>
    %mul3A = vector.broadcast %get3A_4 : vector<1x256xf32> to vector<1024x256xf32>
    %mul3A_5 = arith.mulf %get3A_1, %mul3A : vector<1024x256xf32>
    %get3A_6 = arith.constant 0 : index
    %get3A_7 = arith.constant 0 : index
    %get3A_8 = vector.load %arg5[%get3A_6, %get3A_7] : memref<1x256xf32, #tpu.memory_space<vmem>>, vector<1x256xf32>
    %add3A = vector.broadcast %get3A_8 : vector<1x256xf32> to vector<1024x256xf32>
    %add3A_9 = arith.addf %mul3A_5, %add3A : vector<1024x256xf32>
    %max3A = arith.constant 0.000000e+00 : f32
    %max3A_10 = vector.broadcast %max3A : f32 to vector<1024x256xf32>
    %max3A_11 = arith.maximumf %add3A_9, %max3A_10 : vector<1024x256xf32>
    %get3A_12 = arith.constant 0 : index
    %get3A_13 = arith.constant 0 : index
    %get3A_14 = vector.load %arg2[%get3A_12, %get3A_13] : memref<512x256xf32, #tpu.memory_space<vmem>>, vector<512x256xf32>
    %transpose3A = tpu.transpose %get3A_14, [1, 0] : vector<512x256xf32> -> vector<256x512xf32>
    %dot_general3A = arith.constant dense<0.000000e+00> : vector<1024x512xf32>
    %dot_general3A_15 = tpu.matmul %max3A_11, %transpose3A, %dot_general3A {dimension_numbers = #tpu.dot_dimension_numbers<[1], [0], [0], [1], [0, 0, 1, 1], [], []>, transpose_lhs_hint = false} : vector<1024x256xf32>, vector<256x512xf32>, vector<1024x512xf32> -> vector<1024x512xf32>
    %get3A_16 = arith.constant 0 : index
    %get3A_17 = arith.constant 0 : index
    %get3A_18 = vector.load %arg3[%get3A_16, %get3A_17] : memref<1x512xf32, #tpu.memory_space<vmem>>, vector<1x512xf32>
    %add3A_19 = vector.broadcast %get3A_18 : vector<1x512xf32> to vector<1024x512xf32>
    %add3A_20 = arith.addf %dot_general3A_15, %add3A_19 : vector<1024x512xf32>
    %swap3A = arith.constant 0 : index
    %swap3A_21 = arith.constant 0 : index
    %swap3A_22 = vector.load %arg6[%swap3A, %swap3A_21] : memref<1024x512xf32, #tpu.memory_space<vmem>>, vector<1024x512xf32>
    tpu.vector_store %arg6[%swap3A, %swap3A_21], %add3A_20 {strides = array<i32>} : memref<1024x512xf32, #tpu.memory_space<vmem>>, vector<1024x512xf32>,
    %reduce_sum3A = arith.constant dense<0.000000e+00> : vector<512xf32>
    %reduce_sum3A_23 = vector.multi_reduction <add>, %add3A_20, %reduce_sum3A [0] : vector<1024x512xf32> to vector<512xf32>
    %broadcast_in_dim3A = vector.shape_cast %reduce_sum3A_23 : vector<512xf32> to vector<1x512xf32>
    %broadcast_in_dim3A_24 = vector.shape_cast %broadcast_in_dim3A : vector<1x512xf32> to vector<1x512xf32>
    %broadcast_in_dim3A_25 = vector.broadcast %broadcast_in_dim3A_24 : vector<1x512xf32> to vector<8x512xf32>
    %swap3A_26 = arith.constant 0 : index
    %swap3A_27 = arith.constant 0 : index
    %swap3A_28 = vector.load %arg7[%swap3A_26, %swap3A_27] : memref<8x512xf32, #tpu.memory_space<vmem>>, vector<8x512xf32>
    tpu.vector_store %arg7[%swap3A_26, %swap3A_27], %broadcast_in_dim3A_25 {strides = array<i32>} : memref<8x512xf32, #tpu.memory_space<vmem>>, vector<8x512xf32>,
    %mul3A_29 = arith.mulf %add3A_20, %add3A_20 : vector<1024x512xf32>
    %reduce_sum3A_30 = arith.constant dense<0.000000e+00> : vector<512xf32>
    %reduce_sum3A_31 = vector.multi_reduction <add>, %mul3A_29, %reduce_sum3A_30 [0] : vector<1024x512xf32> to vector<512xf32>
    %broadcast_in_dim3A_32 = vector.shape_cast %reduce_sum3A_31 : vector<512xf32> to vector<1x512xf32>
    %broadcast_in_dim3A_33 = vector.shape_cast %broadcast_in_dim3A_32 : vector<1x512xf32> to vector<1x512xf32>
    %broadcast_in_dim3A_34 = vector.broadcast %broadcast_in_dim3A_33 : vector<1x512xf32> to vector<8x512xf32>
    %swap3A_35 = arith.constant 0 : index
    %swap3A_36 = arith.constant 0 : index
    %swap3A_37 = vector.load %arg8[%swap3A_35, %swap3A_36] : memref<8x512xf32, #tpu.memory_space<vmem>>, vector<8x512xf32>
    tpu.vector_store %arg8[%swap3A_35, %swap3A_36], %broadcast_in_dim3A_34 {strides = array<i32>} : memref<8x512xf32, #tpu.memory_space<vmem>>, vector<8x512xf32>,
    return
  }
  func.func @transform_0(%arg0: i32) -> (i32, i32) {
    %c0_i32 = arith.constant 0 : i32
    %c0_i32_0 = arith.constant 0 : i32
    return %arg0, %c0_i32 : i32, i32
  }
  func.func @transform_1(%arg0: i32) -> (i32, i32) {
    %c0_i32 = arith.constant 0 : i32
    %c0_i32_0 = arith.constant 0 : i32
    %c0_i32_1 = arith.constant 0 : i32
    return %c0_i32, %c0_i32_0 : i32, i32
  }
  func.func @transform_2(%arg0: i32) -> (i32, i32) {
    %c0_i32 = arith.constant 0 : i32
    %c0_i32_0 = arith.constant 0 : i32
    %c0_i32_1 = arith.constant 0 : i32
    return %c0_i32, %c0_i32_0 : i32, i32
  }
  func.func @transform_3(%arg0: i32) -> (i32, i32) {
    %c0_i32 = arith.constant 0 : i32
    %c0_i32_0 = arith.constant 0 : i32
    %c0_i32_1 = arith.constant 0 : i32
    return %c0_i32, %c0_i32_0 : i32, i32
  }
  func.func @transform_4(%arg0: i32) -> (i32, i32) {
    %c0_i32 = arith.constant 0 : i32
    %c0_i32_0 = arith.constant 0 : i32
    %c0_i32_1 = arith.constant 0 : i32
    return %c0_i32, %c0_i32_0 : i32, i32
  }
  func.func @transform_5(%arg0: i32) -> (i32, i32) {
    %c0_i32 = arith.constant 0 : i32
    %c0_i32_0 = arith.constant 0 : i32
    return %arg0, %c0_i32 : i32, i32
  }
  func.func @transform_6(%arg0: i32) -> (i32, i32) {
    %c0_i32 = arith.constant 0 : i32
    %c0_i32_0 = arith.constant 0 : i32
    return %arg0, %c0_i32 : i32, i32
  }
  func.func @transform_7(%arg0: i32) -> (i32, i32) {
    %c0_i32 = arith.constant 0 : i32
    %c0_i32_0 = arith.constant 0 : i32
    return %arg0, %c0_i32 : i32, i32
  }
}

module attributes {stable_mosaic.version = 14 : i64} {
  func.func @_mm_act_kernel(%arg0: i32, %arg1: memref<1024x512xf32, #tpu.memory_space<vmem>>, %arg2: memref<1024x512xf32, #tpu.memory_space<vmem>>, %arg3: memref<1x1024xf32, #tpu.memory_space<vmem>>, %arg4: memref<1x512xf32, #tpu.memory_space<vmem>>, %arg5: memref<1x512xf32, #tpu.memory_space<vmem>>, %arg6: memref<1024x1024xf32, #tpu.memory_space<vmem>>, %arg7: memref<8x1024xf32, #tpu.memory_space<vmem>>, %arg8: memref<8x1024xf32, #tpu.memory_space<vmem>>) attributes {dimension_semantics = [#tpu.dimension_semantics<arbitrary>], iteration_bounds = array<i64: 1>, scalar_prefetch = 0 : i64, scratch_operands = 0 : i64, tpu.core_type = #tpu.core_type<tc>, window_params = [{transform_indices = @transform_0, window_bounds = array<i64: 1024, 512>}, {pipeline_mode = #tpu.pipeline_mode<synchronous>, transform_indices = @transform_1, window_bounds = array<i64: 1024, 512>}, {pipeline_mode = #tpu.pipeline_mode<synchronous>, transform_indices = @transform_2, window_bounds = array<i64: 1, 1024>}, {pipeline_mode = #tpu.pipeline_mode<synchronous>, transform_indices = @transform_3, window_bounds = array<i64: 1, 512>}, {pipeline_mode = #tpu.pipeline_mode<synchronous>, transform_indices = @transform_4, window_bounds = array<i64: 1, 512>}, {transform_indices = @transform_5, window_bounds = array<i64: 1024, 1024>}, {transform_indices = @transform_6, window_bounds = array<i64: 8, 1024>}, {transform_indices = @transform_7, window_bounds = array<i64: 8, 1024>}]} {
    %get3A = arith.constant 0 : index
    %get3A_0 = arith.constant 0 : index
    %get3A_1 = vector.load %arg1[%get3A, %get3A_0] : memref<1024x512xf32, #tpu.memory_space<vmem>>, vector<1024x512xf32>
    %get3A_2 = arith.constant 0 : index
    %get3A_3 = arith.constant 0 : index
    %get3A_4 = vector.load %arg4[%get3A_2, %get3A_3] : memref<1x512xf32, #tpu.memory_space<vmem>>, vector<1x512xf32>
    %mul3A = vector.broadcast %get3A_4 : vector<1x512xf32> to vector<1024x512xf32>
    %mul3A_5 = arith.mulf %get3A_1, %mul3A : vector<1024x512xf32>
    %get3A_6 = arith.constant 0 : index
    %get3A_7 = arith.constant 0 : index
    %get3A_8 = vector.load %arg5[%get3A_6, %get3A_7] : memref<1x512xf32, #tpu.memory_space<vmem>>, vector<1x512xf32>
    %add3A = vector.broadcast %get3A_8 : vector<1x512xf32> to vector<1024x512xf32>
    %add3A_9 = arith.addf %mul3A_5, %add3A : vector<1024x512xf32>
    %max3A = arith.constant 0.000000e+00 : f32
    %max3A_10 = vector.broadcast %max3A : f32 to vector<1024x512xf32>
    %max3A_11 = arith.maximumf %add3A_9, %max3A_10 : vector<1024x512xf32>
    %get3A_12 = arith.constant 0 : index
    %get3A_13 = arith.constant 0 : index
    %get3A_14 = vector.load %arg2[%get3A_12, %get3A_13] : memref<1024x512xf32, #tpu.memory_space<vmem>>, vector<1024x512xf32>
    %transpose3A = tpu.transpose %get3A_14, [1, 0] : vector<1024x512xf32> -> vector<512x1024xf32>
    %dot_general3A = arith.constant dense<0.000000e+00> : vector<1024x1024xf32>
    %dot_general3A_15 = tpu.matmul %max3A_11, %transpose3A, %dot_general3A {dimension_numbers = #tpu.dot_dimension_numbers<[1], [0], [0], [1], [0, 0, 1, 1], [], []>, transpose_lhs_hint = false} : vector<1024x512xf32>, vector<512x1024xf32>, vector<1024x1024xf32> -> vector<1024x1024xf32>
    %get3A_16 = arith.constant 0 : index
    %get3A_17 = arith.constant 0 : index
    %get3A_18 = vector.load %arg3[%get3A_16, %get3A_17] : memref<1x1024xf32, #tpu.memory_space<vmem>>, vector<1x1024xf32>
    %add3A_19 = vector.broadcast %get3A_18 : vector<1x1024xf32> to vector<1024x1024xf32>
    %add3A_20 = arith.addf %dot_general3A_15, %add3A_19 : vector<1024x1024xf32>
    %swap3A = arith.constant 0 : index
    %swap3A_21 = arith.constant 0 : index
    %swap3A_22 = vector.load %arg6[%swap3A, %swap3A_21] : memref<1024x1024xf32, #tpu.memory_space<vmem>>, vector<1024x1024xf32>
    tpu.vector_store %arg6[%swap3A, %swap3A_21], %add3A_20 {strides = array<i32>} : memref<1024x1024xf32, #tpu.memory_space<vmem>>, vector<1024x1024xf32>,
    %reduce_sum3A = arith.constant dense<0.000000e+00> : vector<1024xf32>
    %reduce_sum3A_23 = vector.multi_reduction <add>, %add3A_20, %reduce_sum3A [0] : vector<1024x1024xf32> to vector<1024xf32>
    %broadcast_in_dim3A = vector.shape_cast %reduce_sum3A_23 : vector<1024xf32> to vector<1x1024xf32>
    %broadcast_in_dim3A_24 = vector.shape_cast %broadcast_in_dim3A : vector<1x1024xf32> to vector<1x1024xf32>
    %broadcast_in_dim3A_25 = vector.broadcast %broadcast_in_dim3A_24 : vector<1x1024xf32> to vector<8x1024xf32>
    %swap3A_26 = arith.constant 0 : index
    %swap3A_27 = arith.constant 0 : index
    %swap3A_28 = vector.load %arg7[%swap3A_26, %swap3A_27] : memref<8x1024xf32, #tpu.memory_space<vmem>>, vector<8x1024xf32>
    tpu.vector_store %arg7[%swap3A_26, %swap3A_27], %broadcast_in_dim3A_25 {strides = array<i32>} : memref<8x1024xf32, #tpu.memory_space<vmem>>, vector<8x1024xf32>,
    %mul3A_29 = arith.mulf %add3A_20, %add3A_20 : vector<1024x1024xf32>
    %reduce_sum3A_30 = arith.constant dense<0.000000e+00> : vector<1024xf32>
    %reduce_sum3A_31 = vector.multi_reduction <add>, %mul3A_29, %reduce_sum3A_30 [0] : vector<1024x1024xf32> to vector<1024xf32>
    %broadcast_in_dim3A_32 = vector.shape_cast %reduce_sum3A_31 : vector<1024xf32> to vector<1x1024xf32>
    %broadcast_in_dim3A_33 = vector.shape_cast %broadcast_in_dim3A_32 : vector<1x1024xf32> to vector<1x1024xf32>
    %broadcast_in_dim3A_34 = vector.broadcast %broadcast_in_dim3A_33 : vector<1x1024xf32> to vector<8x1024xf32>
    %swap3A_35 = arith.constant 0 : index
    %swap3A_36 = arith.constant 0 : index
    %swap3A_37 = vector.load %arg8[%swap3A_35, %swap3A_36] : memref<8x1024xf32, #tpu.memory_space<vmem>>, vector<8x1024xf32>
    tpu.vector_store %arg8[%swap3A_35, %swap3A_36], %broadcast_in_dim3A_34 {strides = array<i32>} : memref<8x1024xf32, #tpu.memory_space<vmem>>, vector<8x1024xf32>,
    return
  }
  func.func @transform_0(%arg0: i32) -> (i32, i32) {
    %c0_i32 = arith.constant 0 : i32
    %c0_i32_0 = arith.constant 0 : i32
    return %arg0, %c0_i32 : i32, i32
  }
  func.func @transform_1(%arg0: i32) -> (i32, i32) {
    %c0_i32 = arith.constant 0 : i32
    %c0_i32_0 = arith.constant 0 : i32
    %c0_i32_1 = arith.constant 0 : i32
    return %c0_i32, %c0_i32_0 : i32, i32
  }
  func.func @transform_2(%arg0: i32) -> (i32, i32) {
    %c0_i32 = arith.constant 0 : i32
    %c0_i32_0 = arith.constant 0 : i32
    %c0_i32_1 = arith.constant 0 : i32
    return %c0_i32, %c0_i32_0 : i32, i32
  }
  func.func @transform_3(%arg0: i32) -> (i32, i32) {
    %c0_i32 = arith.constant 0 : i32
    %c0_i32_0 = arith.constant 0 : i32
    %c0_i32_1 = arith.constant 0 : i32
    return %c0_i32, %c0_i32_0 : i32, i32
  }
  func.func @transform_4(%arg0: i32) -> (i32, i32) {
    %c0_i32 = arith.constant 0 : i32
    %c0_i32_0 = arith.constant 0 : i32
    %c0_i32_1 = arith.constant 0 : i32
    return %c0_i32, %c0_i32_0 : i32, i32
  }
  func.func @transform_5(%arg0: i32) -> (i32, i32) {
    %c0_i32 = arith.constant 0 : i32
    %c0_i32_0 = arith.constant 0 : i32
    return %arg0, %c0_i32 : i32, i32
  }
  func.func @transform_6(%arg0: i32) -> (i32, i32) {
    %c0_i32 = arith.constant 0 : i32
    %c0_i32_0 = arith.constant 0 : i32
    return %arg0, %c0_i32 : i32, i32
  }
  func.func @transform_7(%arg0: i32) -> (i32, i32) {
    %c0_i32 = arith.constant 0 : i32
    %c0_i32_0 = arith.constant 0 : i32
    return %arg0, %c0_i32 : i32, i32
  }
}

module attributes {stable_mosaic.version = 14 : i64} {
  func.func @_arm_kernel(%arg0: i32, %arg1: memref<8x128x1024xf32, #tpu.memory_space<vmem>>, %arg2: memref<1x1x1024xf32, #tpu.memory_space<vmem>>, %arg3: memref<1x1x1024xf32, #tpu.memory_space<vmem>>, %arg4: memref<8x1024xf32, #tpu.memory_space<vmem>>) attributes {dimension_semantics = [#tpu.dimension_semantics<arbitrary>], iteration_bounds = array<i64: 1>, scalar_prefetch = 0 : i64, scratch_operands = 0 : i64, tpu.core_type = #tpu.core_type<tc>, window_params = [{transform_indices = @transform_0, window_bounds = array<i64: 8, 128, 1024>}, {pipeline_mode = #tpu.pipeline_mode<synchronous>, transform_indices = @transform_1, window_bounds = array<i64: 1, 1, 1024>}, {pipeline_mode = #tpu.pipeline_mode<synchronous>, transform_indices = @transform_2, window_bounds = array<i64: 1, 1, 1024>}, {transform_indices = @transform_3, window_bounds = array<i64: 8, 1024>}]} {
    %get3A = arith.constant 0 : index
    %get3A_0 = arith.constant 0 : index
    %get3A_1 = arith.constant 0 : index
    %get3A_2 = vector.load %arg1[%get3A, %get3A_0, %get3A_1] : memref<8x128x1024xf32, #tpu.memory_space<vmem>>, vector<8x128x1024xf32>
    %get3A_3 = arith.constant 0 : index
    %get3A_4 = arith.constant 0 : index
    %get3A_5 = arith.constant 0 : index
    %get3A_6 = vector.load %arg2[%get3A_3, %get3A_4, %get3A_5] : memref<1x1x1024xf32, #tpu.memory_space<vmem>>, vector<1x1x1024xf32>
    %mul3A = vector.broadcast %get3A_6 : vector<1x1x1024xf32> to vector<8x128x1024xf32>
    %mul3A_7 = arith.mulf %get3A_2, %mul3A : vector<8x128x1024xf32>
    %get3A_8 = arith.constant 0 : index
    %get3A_9 = arith.constant 0 : index
    %get3A_10 = arith.constant 0 : index
    %get3A_11 = vector.load %arg3[%get3A_8, %get3A_9, %get3A_10] : memref<1x1x1024xf32, #tpu.memory_space<vmem>>, vector<1x1x1024xf32>
    %add3A = vector.broadcast %get3A_11 : vector<1x1x1024xf32> to vector<8x128x1024xf32>
    %add3A_12 = arith.addf %mul3A_7, %add3A : vector<8x128x1024xf32>
    %max3A = arith.constant 0.000000e+00 : f32
    %max3A_13 = vector.broadcast %max3A : f32 to vector<8x128x1024xf32>
    %max3A_14 = arith.maximumf %add3A_12, %max3A_13 : vector<8x128x1024xf32>
    %reduce_max3A = arith.constant dense<0xFF800000> : vector<8x1024xf32>
    %reduce_max3A_15 = vector.multi_reduction <maximumf>, %max3A_14, %reduce_max3A [1] : vector<8x128x1024xf32> to vector<8x1024xf32>
    %swap3A = arith.constant 0 : index
    %swap3A_16 = arith.constant 0 : index
    %swap3A_17 = vector.load %arg4[%swap3A, %swap3A_16] : memref<8x1024xf32, #tpu.memory_space<vmem>>, vector<8x1024xf32>
    tpu.vector_store %arg4[%swap3A, %swap3A_16], %reduce_max3A_15 {strides = array<i32>} : memref<8x1024xf32, #tpu.memory_space<vmem>>, vector<8x1024xf32>,
    return
  }
  func.func @transform_0(%arg0: i32) -> (i32, i32, i32) {
    %c0_i32 = arith.constant 0 : i32
    %c0_i32_0 = arith.constant 0 : i32
    %c0_i32_1 = arith.constant 0 : i32
    return %arg0, %c0_i32, %c0_i32_0 : i32, i32, i32
  }
  func.func @transform_1(%arg0: i32) -> (i32, i32, i32) {
    %c0_i32 = arith.constant 0 : i32
    %c0_i32_0 = arith.constant 0 : i32
    %c0_i32_1 = arith.constant 0 : i32
    %c0_i32_2 = arith.constant 0 : i32
    return %c0_i32, %c0_i32_0, %c0_i32_1 : i32, i32, i32
  }
  func.func @transform_2(%arg0: i32) -> (i32, i32, i32) {
    %c0_i32 = arith.constant 0 : i32
    %c0_i32_0 = arith.constant 0 : i32
    %c0_i32_1 = arith.constant 0 : i32
    %c0_i32_2 = arith.constant 0 : i32
    return %c0_i32, %c0_i32_0, %c0_i32_1 : i32, i32, i32
  }
  func.func @transform_3(%arg0: i32) -> (i32, i32) {
    %c0_i32 = arith.constant 0 : i32
    %c0_i32_0 = arith.constant 0 : i32
    return %arg0, %c0_i32 : i32, i32
  }
}

</mosaic_0001>

<sc_bundles>
// kernel: gather_offload_async_start
scs
__scs_entry_jumppad:
0x0: {  	(pc) =	sbr.rel $0x88, $3  }
0x1: {  	(tag) =	ssettag $0x0;
	lr =	simm.s32 $0x1  }
0x2: {  	[smem:$0x3F4C] =	sst lr;
	_ =	strace $0xD0000000  }
0x3: {  	_ = 	snop  }
0x4: {  	_ = 	snop  }
0x5: {  	_ = 	snop  }
0x6: {  	_ = 	snop  }
0x7: {  	_ = 	snop  }
__scs_overlays_trampoline_lowered:
0x8: {  	[smem:$0x3F5B] =	sst s0  }
0x9: {  	[smem:$0x3F5C] =	sst s1  }
0xa: {  	[smem:$0x3F5D] =	sst s2  }
0xb: {  	[smem:$0x3F5E] =	sst s3  }
0xc: {  	[smem:$0x3F5F] =	sst s4  }
0xd: {  	[smem:$0x3F60] =	sst s5  }
0xe: {  	[smem:$0x3F61] =	sst s6  }
0xf: {  	[smem:$0x3F62] =	sst s7  }
0x10: {  	[smem:$0x3F63] =	sst s8  }
0x11: {  	[smem:$0x3F64] =	sst s9;
	s0 =	simm.s32 @!p0 $0x0  }
0x12: {  	s1 =	sld [smem:$0x3F4A];
	s0 =	simm.s32 @p0 $0x1  }
0x13: {  	[smem:$0x3F65] =	sst s0;
	s0 =	simm.s32 @!p1 $0x0  }
0x14: {  	s2 =	sld [smem:$0x3F49];
	s0 =	simm.s32 @p1 $0x1  }
0x15: {  	[smem:$0x3F66] =	sst s0;
	s0 =	simm.s32 @!p2 $0x0  }
0x16: {  	s3 =	sld [smem:$0x3FDB];
	s0 =	simm.s32 @p2 $0x1  }
0x17: {  	s4 =	simm.s32 $0x1BF5;
	[smem:$0x3F68] =	sst s0  }
0x18: {  	s0 =	sld [smem:$0x3F4B];
	_ =	swait.ge [sflag:s4], $0x0  }
0x19: {  	s7 =	sld [smem:$0x3F4C]  }
0x1a: {  	s8 =	sadd.s32 $0xFFFFE003, lr  }
0x1b: {  	s9 =	sadd.s32 $0xFFFFFEF7, lr;
	s5 =	simm.s32 $0xFFFFFFFF;
	p2 =	slt.u32 s8, $0xFFFFF086  }
0x1c: {  	p1 =	slt.u32 s9, $0xF7A;
	s5 =	simm.s32 @!p2 $0x0  }
0x1d: {  	s5 =	simm.s32 @p1 $0x1;
	p0 =	seq.s32 s7, s2  }
0x1e: {  	s7 =	smul.u32 @!p0 $0xF7A, s2;
	p2 =	seq.s32 @!p0 s5, $0x0  }
0x1f: {  	s9 =	smul.u32 $0xF7A, s1;
	s8 =	simm.s32 @!p0 $0x1BF5;
	p2 =	por !p2, p0  }
0x20: {  	[sflag:s8] =	ssyncset.s32 @!p0 $0xFFFFF086;
	s6 =	sadd.s32 @!p0 s3, s7;
	s7 =	simm.s32 @!p0 $0x108  }
0x21: {  	s3 =	sadd.s32 s3, s9;
	s6 =	sadd.s32 @!p0 $0x88, s6;
	s7 =	simm.s32 @p2 $0x1082  }
0x22: {  	[simem:s7], [sflag:s8] =	dma.local @!p0 [hbm:s6], $0xF7A  }
0x23: {  	s9 =	sor.u32 $0xD0000000, s2;
	s6 =	simm.s32 $0x108;
	_ =	swait.ge @!p0 [sflag:s8], $0x0  }
0x24: {  	s3 =	sadd.s32 $0x88, s3;
	s6 =	simm.s32 @!p1 $0x1082;
	[sflag:s4] =	ssyncset.s32 $0xFFFFF086  }
0x25: {  	[simem:s6], [sflag:s4] =	dma.local [hbm:s3], $0xF7A  }
0x26: {  	[smem:$0x3F4C] =	sst s1;
	(tag) =	ssettag s2;
	_ =	strace s9  }
0x27: {  	s1 =	sld [smem:$0x3F5C]  }
0x28: {  	s2 =	sld [smem:$0x3F5D]  }
0x29: {  	s4 =	sld [smem:$0x3F5F]  }
0x2a: {  	p0 =	seq.s32 s5, $0x0;
	s5 =	sld [smem:$0x3F60]  }
0x2b: {  	s6 =	sld [smem:$0x3F61]  }
0x2c: {  	s7 =	sld [smem:$0x3F62]  }
0x2d: {  	s3 =	simm.s32 $0x108;
	s8 =	sld [smem:$0x3F63]  }
0x2e: {  	s3 =	simm.s32 @!p0 $0x1082;
	s9 =	sld [smem:$0x3F64]  }
0x2f: {  	lr =	sadd.s32 s0, s3;
	s0 =	sld [smem:$0x3F5B]  }
0x30: {  	s3 =	sld [smem:$0x3F5E]  }
0x31: {  	[smem:$0x3F67] =	sst s10  }
0x32: {  	s10 =	sld [smem:$0x3F65];
	_ =	sdelay $0x3  }
0x33: {  	p0 =	seq.s32 s10, $0x1;
	s10 =	sld [smem:$0x3F67];
	_ =	sdelay $0x3  }
0x34: {  	[smem:$0x3F67] =	sst s10  }
0x35: {  	s10 =	sld [smem:$0x3F66];
	_ =	sdelay $0x3  }
0x36: {  	p1 =	seq.s32 s10, $0x1;
	s10 =	sld [smem:$0x3F67];
	_ =	sdelay $0x3  }
0x37: {  	[smem:$0x3F67] =	sst s10  }
0x38: {  	s10 =	sld [smem:$0x3F68]  }
0x39: {  	_ = 	snop;
	(pc) =	sbr.ind lr, $3  }
0x3a: {  	_ = 	snop  }
0x3b: {  	_ = 	snop  }
0x3c: {  	p2 =	seq.s32 s10, $0x1;
	s10 =	sld [smem:$0x3F67]  }
0x3d: {  	_ =	shalt  }
0x3e: {  	_ =	shalt  }
0x3f: {  	_ =	shalt  }
0x40: {  	_ =	shalt  }
0x41: {  	_ =	shalt  }
0x42: {  	_ =	shalt  }
0x43: {  	_ =	shalt  }
0x44: {  	_ =	shalt  }
0x45: {  	_ =	shalt  }
0x46: {  	_ =	shalt  }
0x47: {  	_ =	shalt  }
0x48: {  	_ =	shalt  }
0x49: {  	_ =	shalt  }
0x4a: {  	_ =	shalt  }
0x4b: {  	_ =	shalt  }
0x4c: {  	_ =	shalt  }
0x4d: {  	_ =	shalt  }
0x4e: {  	_ =	shalt  }
0x4f: {  	_ =	shalt  }
0x50: {  	_ =	shalt  }
0x51: {  	_ =	shalt  }
0x52: {  	_ =	shalt  }
0x53: {  	_ =	shalt  }
0x54: {  	_ =	shalt  }
0x55: {  	_ =	shalt  }
0x56: {  	_ =	shalt  }
0x57: {  	_ =	shalt  }
0x58: {  	_ =	shalt  }
0x59: {  	_ =	shalt  }
0x5a: {  	_ =	shalt  }
0x5b: {  	_ =	shalt  }
0x5c: {  	_ =	shalt  }
0x5d: {  	_ =	shalt  }
0x5e: {  	_ =	shalt  }
0x5f: {  	_ =	shalt  }
0x60: {  	_ =	shalt  }
0x61: {  	_ =	shalt  }
0x62: {  	_ =	shalt  }
0x63: {  	_ =	shalt  }
0x64: {  	_ =	shalt  }
0x65: {  	_ =	shalt  }
0x66: {  	_ =	shalt  }
0x67: {  	_ =	shalt  }
0x68: {  	_ =	shalt  }
0x69: {  	_ =	shalt  }
0x6a: {  	_ =	shalt  }
0x6b: {  	_ =	shalt  }
0x6c: {  	_ =	shalt  }
0x6d: {  	_ =	shalt  }
0x6e: {  	_ =	shalt  }
0x6f: {  	_ =	shalt  }
0x70: {  	_ =	shalt  }
0x71: {  	_ =	shalt  }
0x72: {  	_ =	shalt  }
0x73: {  	_ =	shalt  }
0x74: {  	_ =	shalt  }
0x75: {  	_ =	shalt  }
0x76: {  	_ =	shalt  }
0x77: {  	_ =	shalt  }
0x78: {  	_ =	shalt  }
0x79: {  	_ =	shalt  }
0x7a: {  	_ =	shalt  }
0x7b: {  	_ =	shalt  }
0x7c: {  	_ =	shalt  }
0x7d: {  	_ =	shalt  }
0x7e: {  	_ =	shalt  }
0x7f: {  	_ =	shalt  }
0x80: {  	_ =	shalt  }
0x81: {  	_ =	shalt  }
0x82: {  	_ =	shalt  }
0x83: {  	_ =	shalt  }
0x84: {  	_ =	shalt  }
0x85: {  	_ =	shalt  }
0x86: {  	_ =	shalt  }
0x87: {  	_ =	shalt  }
.Lfunc_end0:
.L_simem_size_0:
called_computation_lowered:
.L_overlay_start_0:
0x88: {  	s2 =	sld [smem:$0x3FD9]  }
0x89: {  	s3 =	sld [smem:$0x3FFE];
	_ =	sdelay $0x1  }
0x8a: {  	s1 =	srdreg.scid  }
0x8b: {  	s0 =	sand.u32 $0x1, s1  }
0x8c: {  	s16 =	sshll.u32 s0, $0xA;
	s2 =	sadd.s32 s3, s2  }
0x8d: {  	s2 =	sadd.s32 s2, s16  }
0x8e: {  	[smem:$0x3F73] =	sst s2  }
0x8f: {  	_ = 	snop  }
0x90: {  	(tm) =	ssettm $0x1  }
0x91: {  	s17 =	sld [smem:$0x3FFB];
	_ =	sdelay $0x3  }
0x92: {  	_ =	strace s17  }
0x93: {  	s2 =	sld [smem:$0x3FFC];
	_ =	sdelay $0x3  }
0x94: {  	_ =	strace s2  }
0x95: {  	s2 =	sld [smem:$0x3FFD];
	_ =	sdelay $0x3  }
0x96: {  	_ =	strace s2  }
0x97: {  	_ =	strace $0x8FFFFFFF  }
0x98: {  	s18 =	sld [smem:$0x3FDB];
	_ =	sdelay $0x1  }
0x99: {  	s19 =	simm.s32 $_scs_section_size  }
0x9a: {  	s4 =	simm.s32 $_size__tile_overlayer_lowered;
	s5 =	simm.s32 $_tile_overlayer_lowered  }
0x9b: {  	s22 =	simm.s32 $0x1BFF;
	s21 =	sshll.u32 s5, $0x1;
	s2 =	sadd.s32 s19, s18  }
0x9c: {  	s6 =	simm.s32 $0x0;
	s20 =	sshll.u32 s4, $0x1;
	s4 =	sadd.s32 s21, s2  }
0x9d: {  	[timem:s6], [sflag:s22] =	dma.local [hbm:s4], s20  }
0x9e: {  	_ =	swait.ge [sflag:s22], s20  }
0x9f: {  	s3 =	ssub.s32 $0x0, s20;
	[sflag:s22] =	ssyncset.done $0x0  }
0xa0: {  	[sflag:s22] =	ssyncadd.s32 s3;
	_ =	sdelay $0x1  }
0xa1: {  	s23 =	simm.s32 $0x1B8B  }
0xa2: {  	_ =	swait.ge [sflag:s23], $0x1  }
0xa3: {  	[sflag:s23] =	ssyncset.done $0x0  }
0xa4: {  	s25 =	simm.s32 $0x1B8E;
	s24 =	sld [smem:$0x3FFE];
	[sflag:s23] =	ssyncadd.s32 $0xFFFFFFFF  }
0xa5: {  	s26 =	simm.s32 $execute0_lowered;
	[smem:$0x3FD2] =	sst s25  }
0xa6: {  	s4 =	sshll.u32 s26, $0x1;
	_ =	strace $0x80000046;
	[dreg:$0x1] =	wrdreg $0xFFFFFFFF  }
0xa7: {  	s28 =	simm.s32 $_size_execute0_lowered;
	s2 =	sadd.s32 s2, s4;
	[dreg:$0x0] =	wrdreg $0x0  }
0xa8: {  	s4 =	sshll.u32 s28, $0x1;
	[dreg:$0x2] =	wrdreg s2  }
0xa9: {  	[dreg:$0x3] =	wrdreg s4  }
0xaa: {  	[dreg:$0x4] =	wrdreg $0xC0  }
0xab: {  	_ =	task [dreg:s6], $0x5FFFF  }
0xac: {  	[dreg:$0x1] =	wrdreg $0xFFFFFFFF  }
0xad: {  	[dreg:$0x0] =	wrdreg $0x60  }
0xae: {  	[dreg:$0x2] =	wrdreg s24  }
0xaf: {  	[dreg:$0x3] =	wrdreg $0x9  }
0xb0: {  	_ =	task.clear_ibuf [dreg:s6], $0x4FFFF;
	_ =	strace $0x90000046  }
0xb1: {  	s29 =	simm.s32 $0x9;
	_ =	strace $0x80000048  }
0xb2: {  	_ =	swait.ge [sflag:s29], $0x1  }
0xb3: {  	[sflag:s29] =	ssyncadd.s32 $0xFFFFFFFF  }
0xb4: {  	_ =	strace $0x90000048  }
0xb5: {  	_ =	sfence  }
0xb6: {  	s30 =	sld [smem:$0x0];
	_ =	sdelay $0x2  }
0xb7: {  	s31 =	sshll.u32 s1, $0xD;
	s1 =	sshrl.u32 s1, $0x2  }
0xb8: {  	s3 =	sand.u32 $0x4000, s31;
	s1 =	sadd.s32 s1, s30  }
0xb9: {  	s0 =	sor.u32 s3, s0;
	s1 =	sshll.u32 s1, $0x11  }
0xba: {  	s0 =	sor.u32 s1, s0  }
0xbb: {  	s0 =	sadd.s32 $0x8F2B, s0  }
0xbc: {  	[sflag:s0] =	ssyncadd.remote.s32 $0x1  }
0xbd: {  	_ =	sfence.sel $0xFFFF  }
0xbe: {  	[dreg:$0x0] =	wrdreg $0xFFFFFFFF;
	(pc) =	sbr.abs _section_cstart, $3  }
0xbf: {  	[dreg:$0x1] =	wrdreg $0xFFFFFFFF  }
0xc0: {  	_ =	task.clear_ibuf [dreg:s6], $0x2FFFF;
	_ =	strace $0x9FFFFFFF  }
0xc1: {  	(tm) =	ssettm $0x7FFFFFFF  }
tec
execute0_lowered:
.L_overlay_start_1:
0x0: {  	(tag) =	ssettag $0x1  }
0x1: {  	s2 =	rddreg [dreg:$0x0]  }
0x2: {  	s0 =	rddreg [dreg:$0x1]  }
0x3: {  	s1 =	srdreg.scid;
	_ =	strace $0x80000047;
	s4 =	simm.s32 $0x1  }
0x4: {  	s9 =	simm.s32 $0x3;
	s12 =	simm.s32 $0x0;
	s5 =	sshll.u32 s1, $0x4  }
.Ltmp0:
0x5: {  	s1 =	stileid.u32;
	s5 =	sand.u32 $0x10, s5;
	(pc) =	sbr.rel .LBB2_1-.Ltmp0, $4  }
0x6: {  	s10 =	simm.s32 $0x0;
	s3 =	sadd.s32 $0x40000, s2;
	s6 =	sor.u32 s1, s5  }
0x7: {  	[sflag:s4] =	ssyncpa.u1 $0x0;
	s5 =	simm.s32 $0x2;
	s6 =	sshll.u32 s6, $0x7  }
0x8: {  	s7 =	sadd.s32 $0x40200, s2;
	[sflag:s5] =	ssyncpa.u1 $0x0;
	s8 =	sadd.s32 $0x80, s6  }
0x9: {  	vm0 =	vmmov $0xff;
	vm1 =	vcmask $0x3F20;
	[sflag:s9] =	ssyncpa.u1 $0x0;
	s9 =	simm.s32 $0x80;
	s11 =	smov.u32 s6  }
.LBB2_9:
0xa: {  	p0 =	seq.s32 s10, $0x2  }
.Ltmp1:
0xb: {  	_ = 	snop;
	(pc) =	sbr.rel @p0 .LBB2_11-.Ltmp1, $1  }
0xc: {  	_ =	sdelay $0x3  }
.LBB2_10:
0xd: {  	s12 =	sadd.s32 $0x80, s11  }
0xe: {  	s13 =	smov.u32 s6;
	p0 =	slt.s32 s12, s8  }
0xf: {  	s13 =	smov.u32 @p0 s12  }
0x10: {  	s10 =	sadd.s32 $0x1, s10;
	s12 =	smov.u32 s11;
	s11 =	smov.u32 s13  }
.LBB2_1:
0x11: {  	p0 =	sne.s32 s10, $0x0  }
.Ltmp2:
0x12: {  	_ = 	snop;
	(pc) =	sbr.rel @!p0 .LBB2_2-.Ltmp2, $1  }
0x13: {  	_ =	sdelay $0x3  }
0x14: {  	s13 =	sand.u32 $0x1, s10  }
0x15: {  	p0 =	seq.s32 s13, $0x0  }
.Ltmp3:
0x16: {  	_ = 	snop;
	(pc) =	sbr.rel @p0 .LBB2_9-.Ltmp3, $1  }
0x17: {  	_ =	sdelay $0x3  }
0x18: {  	_ =	swait.ge [sflag:s5], $0x80  }
0x19: {  	[sflag:s5] =	ssyncset.done $0x0  }
0x1a: {  	s13 =	simm.s32 $0x0;
	[sflag:s5] =	ssyncadd.s32 $0xFFFFFF80  }
0x1b: {  	v0 =	vld.msk [tilespmem:s13+$0x80 ss:$0x1], $0xffff;
	_ =	sdelay $0x4  }
0x1c: {  	v1 =	vshll.u32 v0, $0x4  }
0x1d: {  	vm2 =	veq.s32 v0, $0x80000000;
	v0 =	vshll.u32 v0, $0x12;
	v1 =	vand.u32 $0x3FF80, v1  }
0x1e: {  	v0 =	vand.u32 $0x1C0000, v0;
	v1 =	vsel vm2, $0xFFFFFF80, v1  }
0x1f: {  	v0 =	vsel vm2, $0xFFFC0000, v0;
	v2 =	vand.u32 $0xFFFFFC00, v1  }
0x20: {  	v1 =	vand.u32 $0x380, v1;
	v0 =	vadd.s32 v0, v2  }
0x21: {  	v0 =	vor.u32 v1, v0  }
0x22: {  	v0 =	vshrl.u32 v0, $0x3;
	_ =	sdelay $0x3  }
0x23: {  	s13 =	simm.s32 $0x4100  }
0x24: {  	[tilespmem:s13], [sflag:$0x1] =	stream.indirect_vreg.gather [hbm:s2], $0x80, v0, vm0, $0x38;
	[tilespmem:$0x8100] =	vst v63  }
0x25: {  	s14 =	simm.s32 $0x4500;
	s31 =	simm.s32 $0x10  }
0x26: {  	[tilespmem:s14], [sflag:$0x1] =	stream.indirect_vreg.gather [hbm:s2], $0x80, v0, vm1, $0x38;
	[tilespmem:$0x8100] =	vst v63  }
0x27: {  	s14 =	simm.s32 $0x80;
	v0 =	vld.msk [tilespmem:s31+$0x80 ss:$0x1], $0xffff  }
.LBB2_5:
0x28: {  	p0 =	sne.s32 s14, $0x1C0;
	_ =	sdelay $0x4  }
0x29: {  	v1 =	vshll.u32 v0, $0x4  }
0x2a: {  	vm2 =	veq.s32 v0, $0x80000000;
	v0 =	vshll.u32 v0, $0x12;
	v1 =	vand.u32 $0x3FF80, v1  }
0x2b: {  	v0 =	vand.u32 $0x1C0000, v0;
	v1 =	vsel vm2, $0xFFFFFF80, v1  }
0x2c: {  	v0 =	vsel vm2, $0xFFFC0000, v0;
	v2 =	vand.u32 $0xFFFFFC00, v1  }
0x2d: {  	v1 =	vand.u32 $0x380, v1;
	v0 =	vadd.s32 v0, v2  }
0x2e: {  	v0 =	vor.u32 v1, v0  }
0x2f: {  	v0 =	vshrl.u32 v0, $0x3;
	_ =	sdelay $0x3  }
.Ltmp4:
0x30: {  	s13 =	sadd.s32 $0x800, s13;
	(pc) =	sbr.rel @p0 .LBB2_5-.Ltmp4, $4  }
0x31: {  	[tilespmem:s13], [sflag:$0x1] =	stream.indirect_vreg.gather [hbm:s2], $0x80, v0, vm0, $0x38;
	[tilespmem:$0x8100] =	vst v63  }
0x32: {  	s15 =	sshra.s32 s14, $0x2;
	s16 =	sadd.s32 $0x400, s13  }
0x33: {  	[tilespmem:s16], [sflag:$0x1] =	stream.indirect_vreg.gather [hbm:s2], $0x80, v0, vm1, $0x38;
	[tilespmem:$0x8100] =	vst v63  }
0x34: {  	s14 =	sadd.s32 $0x40, s14;
	v0 =	vld.msk [tilespmem:s15+$0x80 ss:$0x1], $0xffff  }
0x35: {  	_ =	sdelay $0x3  }
0x36: {  	v1 =	vshll.u32 v0, $0x4  }
0x37: {  	vm2 =	veq.s32 v0, $0x80000000;
	v63 =	vshll.u32 v0, $0x12;
	v1 =	vand.u32 $0x3FF80, v1  }
0x38: {  	v0 =	vand.u32 $0x1C0000, v63;
	v1 =	vsel vm2, $0xFFFFFF80, v1  }
0x39: {  	v0 =	vsel vm2, $0xFFFC0000, v0;
	v2 =	vand.u32 $0xFFFFFC00, v1  }
0x3a: {  	v1 =	vand.u32 $0x380, v1;
	v0 =	vadd.s32 v0, v2  }
0x3b: {  	v0 =	vor.u32 v1, v0  }
0x3c: {  	v0 =	vshrl.u32 v0, $0x3;
	_ =	sdelay $0x3  }
0x3d: {  	s13 =	sadd.s32 $0x800, s13  }
0x3e: {  	[tilespmem:s13], [sflag:$0x1] =	stream.indirect_vreg.gather [hbm:s2], $0x80, v0, vm0, $0x38;
	[tilespmem:$0x8100] =	vst v63  }
0x3f: {  	s13 =	sadd.s32 $0x400, s13  }
0x40: {  	[tilespmem:s13], [sflag:$0x1] =	stream.indirect_vreg.gather [hbm:s2], $0x80, v0, vm1, $0x38;
	[tilespmem:$0x8100] =	vst v63  }
0x41: {  	s12 =	sshll.u32 s12, $0x4;
	s14 =	simm.s32 $0x80;
	_ =	swait.ge [sflag:s4], $0x4000  }
0x42: {  	s15 =	simm.s32 $0x4500;
	s12 =	sadd.s32 s12, s7;
	[sflag:s4] =	ssyncset.done $0x0  }
0x43: {  	s16 =	sadd.s32 $0x0, s12;
	s13 =	simm.s32 $0x4100;
	[sflag:s4] =	ssyncadd.s32 $0xFFFFC000  }
.LBB2_7:
0x44: {  	[hbm:s16] =	stream.linear.scatter [tilespmem:s13], [sflag:$0x3], $0x400, $0x38;
	[tilespmem:$0x8100] =	vst v63  }
0x45: {  	s16 =	smov.u32 s14;
	s13 =	smov.u32 s15;
	p0 =	sne.s32 s14, $0x780  }
.Ltmp5:
0x46: {  	s14 =	sadd.s32 $0x80, s14;
	(pc) =	sbr.rel @p0 .LBB2_7-.Ltmp5, $2  }
0x47: {  	_ =	sdelay $0x2  }
0x48: {  	s15 =	sadd.s32 $0x400, s15;
	s16 =	sadd.s32 s16, s12  }
.Ltmp6:
0x49: {  	(pc) =	sbr.rel .LBB2_9-.Ltmp6, $2  }
0x4a: {  	_ =	sdelay $0x2  }
0x4b: {  	[hbm:s16] =	stream.linear.scatter [tilespmem:s13], [sflag:$0x3], $0x400, $0x38;
	[tilespmem:$0x8100] =	vst v63  }
.LBB2_2:
.Ltmp7:
0x4c: {  	(pc) =	sbr.rel .LBB2_10-.Ltmp7, $4  }
0x4d: {  	_ = 	snop  }
0x4e: {  	s12 =	sshrl.u32 s11, $0x3  }
0x4f: {  	s13 =	sand.u32 $0x7, s11;
	s12 =	sadd.s32 s3, s12  }
0x50: {  	[tilespmem:s9], [sflag:$0x2] =	stream.linear.gather [hbm4b:s12+s13], $0x80, $0x38;
	[tilespmem:$0x8100] =	vst v63  }
.LBB2_11:
0x51: {  	s2 =	simm.s32 $0x3  }
0x52: {  	_ =	swait.ge [sflag:s2], $0x4000  }
0x53: {  	[sflag:s2] =	ssyncset.done $0x0  }
0x54: {  	[sflag:s2] =	ssyncadd.s32 $0xFFFFC000  }
0x55: {  	_ =	sfence.sel $0x180000  }
0x56: {  	s3 =	simm.s32 $0x2;
	[bflag:$0x0] =	sbarrier.arrive $0xFFFF  }
0x57: {  	[sflag:s3] =	ssyncpa.u1 $0x1  }
0x58: {  	s31 =	simm.s32 $0x1;
	[sflag:s2] =	ssyncpa.u1 $0x1  }
0x59: {  	[sflag:s31] =	ssyncpa.u1 $0x1  }
0x5a: {  	p0 =	sne.s32 s1, $0x0;
	_ =	strace $0x90000047  }
0x5b: {  	s0 =	sadd.s32 @!p0 $0x100000, s0;
	[bflag:$0x2] =	sbarrier.arrive $0xFFFF  }
0x5c: {  	[sflag:s0] =	ssyncadd.tile.s32 @!p0 $0x1;
	_ =	shalt  }
.Lfunc_end2:
_tile_overlayer_lowered:
.L_overlay_start_2:
0x5d: {  	(tag) =	ssettag $0x2  }
0x5e: {  	s0 =	rddreg [dreg:$0x0];
	s2 =	stileid.u32  }
0x5f: {  	s1 =	rddreg [dreg:$0x1];
	p0 =	sne.s32 s2, $0x0  }
0x60: {  	s3 =	rddreg [dreg:$0x2];
	[bflag:$0x3] =	sbarrier.arrive $0xFFFF;
	s2 =	simm.s32 @!p0 $0x1C01  }
0x61: {  	[timem:s3], [sflag:s2] =	dma.local @!p0 [hbm:s0], s1  }
0x62: {  	s0 =	simm.s32 @!p0 $0x1  }
0x63: {  	_ =	swait.ge @!p0 [sflag:s0], s1  }
0x64: {  	s1 =	ssub.s32 @!p0 $0x0, s1;
	[sflag:s0] =	ssyncset.done @!p0 $0x0  }
0x65: {  	[sflag:s0] =	ssyncadd.s32 @!p0 s1  }
0x66: {  	[bflag:$0x3] =	sbarrier.arrive $0xFFFF  }
0x67: {  	_ =	shalt  }

</sc_bundles>
